<compile_context>
chip_gen: v7x
topology: tpu7x:2x2x1
jax: 0.10.2.dev20260603
libtpu: 0.0.44.dev20260713+nightly
codegen_flags: <defaults>
</compile_context>

<pallas_src>
import functools

import jax
import jax.numpy as jnp
from jax import lax
from jax.experimental import pallas as pl
from jax.experimental.pallas import tpu as pltpu
from jax.experimental.pallas import tpu_sc as plsc

_NCB = 4
_K = 8192
_C = 64
_B = 64
_HW = 1024
_KT = 1024
_N_PER_CB = _B * _HW


def _argmin_body(e_ref, x_ref, amin_ref, flat_ref, eaug_ref):
    i = pl.program_id(0)
    b = pl.program_id(1)

    @pl.when(b == 0)
    def _build_e2():
        e = e_ref[0]
        eaug_ref[...] = jnp.sum(e * e, axis=1, keepdims=True)

    x = x_ref[0, 0]
    xneg = -2.0 * x
    best = jnp.full((_HW,), jnp.inf, dtype=jnp.float32)
    besti = jnp.zeros((_HW,), dtype=jnp.int32)
    for kt in range(_K // _KT):
        ek = e_ref[0, pl.ds(kt * _KT, _KT), :]
        e2 = eaug_ref[pl.ds(kt * _KT, _KT), :]
        m = jax.lax.dot_general(
            ek, xneg, (((1,), (0,)), ((), ())),
            preferred_element_type=jnp.float32)
        d = m + e2
        mv = jnp.min(d, axis=0)
        ii = jnp.where(d <= mv[None, :],
                       jax.lax.broadcasted_iota(jnp.int32, d.shape, 0),
                       jnp.int32(2 ** 30))
        mi = jnp.min(ii, axis=0) + kt * _KT
        upd = mv < best
        besti = jnp.where(upd, mi, besti)
        best = jnp.where(upd, mv, best)
    amin_ref[0, 0, 0, :] = besti
    flat_ref[0, 0, 0, :] = besti + i * _K


def _run_argmin(z4, codebooks):
    return pl.pallas_call(
        _argmin_body,
        grid=(_NCB, _B),
        in_specs=[
            pl.BlockSpec((1, _K, _C), lambda i, b: (i, 0, 0)),
            pl.BlockSpec((1, 1, _C, _HW), lambda i, b: (b, i, 0, 0)),
        ],
        out_specs=[
            pl.BlockSpec((1, 1, 1, _HW), lambda i, b: (i, b, 0, 0)),
            pl.BlockSpec((1, 1, 1, _HW), lambda i, b: (i, b, 0, 0)),
        ],
        out_shape=[
            jax.ShapeDtypeStruct((_NCB, _B, 1, _HW), jnp.int32),
            jax.ShapeDtypeStruct((_NCB, _B, 1, _HW), jnp.int32),
        ],
        scratch_shapes=[pltpu.VMEM((_K, 1), jnp.float32)],
    )(codebooks, z4)


_NW = 32
_NIDX = _NCB * _B * _HW
_PER_W = _NIDX // _NW
_CHUNK = 128
_NCHUNK = _PER_W // _CHUNK
_KFLAT = _NCB * _K


def _sc_gather_bincount(cb_flat, flat_idx):
    mesh = plsc.VectorSubcoreMesh(core_axis_name="c", subcore_axis_name="s")

    @functools.partial(
        pl.kernel, mesh=mesh,
        out_type=[
            jax.ShapeDtypeStruct((_NIDX, 128), jnp.float32),
            jax.ShapeDtypeStruct((2, _KFLAT), jnp.float32),
        ],
        scratch_types=[
            pltpu.VMEM((_CHUNK,), jnp.int32),
            pltpu.VMEM((_CHUNK, 128), jnp.float32),
            pltpu.VMEM((_CHUNK,), jnp.float32),
            pltpu.VMEM((2048,), jnp.float32),
            pltpu.VMEM_SHARED((_KFLAT,), jnp.float32),
            pltpu.SemaphoreType.DMA,
        ],
    )
    def sc_kernel(cb_hbm, idx_hbm, out_hbm, cnt_hbm,
                  idx_v, rows_v, ones_v, zeros_v, hist_sh, sem):
        cid = lax.axis_index("c")
        sid = lax.axis_index("s")
        base = (sid * 2 + cid) * _PER_W
        for j in range(_CHUNK // 16):
            ones_v[pl.ds(j * 16, 16)] = jnp.ones((16,), jnp.float32)

        @pl.when(sid == 0)
        def _zero_hist():
            for j in range(128):
                zeros_v[pl.ds(j * 16, 16)] = jnp.zeros((16,), jnp.float32)
            for j in range(_KFLAT // 2048):
                pltpu.sync_copy(zeros_v, hist_sh.at[pl.ds(j * 2048, 2048)])

        plsc.subcore_barrier()

        def chunk(c, carry):
            off = base + c * _CHUNK
            pltpu.sync_copy(idx_hbm.at[pl.ds(off, _CHUNK)], idx_v)
            pltpu.async_copy(cb_hbm.at[idx_v], rows_v, sem).wait()
            pltpu.sync_copy(rows_v, out_hbm.at[pl.ds(off, _CHUNK)])
            pltpu.sync_copy(ones_v, hist_sh.at[idx_v], add=True)
            return carry

        lax.fori_loop(0, _NCHUNK, chunk, 0)
        plsc.subcore_barrier()

        @pl.when(sid == 0)
        def _dump_hist():
            pltpu.sync_copy(hist_sh, cnt_hbm.at[cid])

    return sc_kernel(cb_flat, flat_idx)


def _assemble_body(g_ref, z_ref, zq_ref, r2_ref):
    g = g_ref[0, 0, :, : _C]
    q = jnp.swapaxes(g, 0, 1)
    x = z_ref[0, 0]
    zq_ref[0, 0] = q
    r = q - x
    r2_ref[0, 0, 0, :] = jnp.sum(r * r, axis=0)


def _run_assemble(gathered, z4):
    return pl.pallas_call(
        _assemble_body,
        grid=(_NCB, _B),
        in_specs=[
            pl.BlockSpec((1, 1, _HW, 128), lambda i, b: (i, b, 0, 0)),
            pl.BlockSpec((1, 1, _C, _HW), lambda i, b: (b, i, 0, 0)),
        ],
        out_specs=[
            pl.BlockSpec((1, 1, _C, _HW), lambda i, b: (b, i, 0, 0)),
            pl.BlockSpec((1, 1, 1, _HW), lambda i, b: (i, b, 0, 0)),
        ],
        out_shape=[
            jax.ShapeDtypeStruct((_B, _NCB, _C, _HW), jnp.float32),
            jax.ShapeDtypeStruct((_NCB, _B, 1, _HW), jnp.float32),
        ],
    )(gathered, z4)


def _final_body(r2_ref, cnt_ref, diff_ref, ppl_ref):
    r2 = r2_ref[...]
    diff_ref[...] = (jnp.sum(r2) / jnp.float32(_NCB * _N_PER_CB * _C)).reshape(1, 1)
    counts = cnt_ref[0] + cnt_ref[1]
    total = jnp.maximum(jnp.sum(counts, axis=1, keepdims=True), 1.0)
    probs = counts / total
    ent = jnp.where(probs > 0, probs * jnp.log(probs + 1e-10), 0.0)
    ppl_ref[0, :] = jnp.exp(-jnp.sum(ent, axis=1))


def _run_final(r2, counts):
    return pl.pallas_call(
        _final_body,
        out_shape=[
            jax.ShapeDtypeStruct((1, 1), jnp.float32),
            jax.ShapeDtypeStruct((1, _NCB), jnp.float32),
        ],
    )(r2, counts)


def kernel(z_e, codebooks):
    z4 = z_e.reshape(_B, _NCB, _C, _HW)
    amin, flat = _run_argmin(z4, codebooks)
    flat_idx = flat.reshape(-1)
    cb_flat = codebooks.reshape(_NCB * _K, _C)
    cb_pad = jnp.concatenate([cb_flat, jnp.zeros_like(cb_flat)], axis=1)
    rows, counts2 = _sc_gather_bincount(cb_pad, flat_idx)
    gathered = rows.reshape(_NCB, _B, _HW, 128)
    zq4, r2 = _run_assemble(gathered, z4)
    diff, ppls = _run_final(r2.reshape(_NCB, _B, _HW),
                            counts2.reshape(2, _NCB, _K))
    z_q = zq4.reshape(_B, _NCB * _C, 32, 32)
    argmins = amin.reshape(_NCB, _B, 32, 32)
    return (z_q, diff[0, 0], argmins, ppls[0])

# --- scband reference (transcript-rebuilt; emitter-appended) ---
"""Pipeline reference for scband-qstack-25761213841785 (READ-ONLY COPY).

The authoritative reference and input builder live on the scoring server;
editing this copy changes nothing except your own understanding.
"""

import jax, jax.numpy as jnp
import numpy as np

NUM_CODEBOOKS = 4
EMBED_DIM = 256
CODE_DIM = EMBED_DIM // NUM_CODEBOOKS  # 64
NUM_EMBEDDINGS = 8192


def setup_inputs(seed: int = 0) -> dict:
    key = jax.random.key(seed)
    k1, k2 = jax.random.split(key)
    z_e = jax.random.normal(k1, (64, EMBED_DIM, 32, 32), dtype=jnp.float32)
    # one codebook per quantizer: [num_codebooks, K, code_dim]
    codebooks = jax.random.normal(k2, (NUM_CODEBOOKS, NUM_EMBEDDINGS, CODE_DIM), dtype=jnp.float32)
    return {"z_e": z_e, "codebooks": codebooks}


def _quantize_one(z, embed):
    # z: [B, code_dim, H, W]; embed: [K, code_dim]
    B, C, H, W = z.shape
    flatten = jnp.transpose(z, (0, 2, 3, 1)).reshape(-1, C)  # [N, C]
    # squared distances: ||x||^2 - 2 x.e^T + ||e||^2
    dist = (jnp.sum(flatten ** 2, axis=1, keepdims=True)
            - 2.0 * flatten @ embed.T
            + jnp.sum(embed ** 2, axis=1)[None, :])  # [N, K]
    argmin = jnp.argmin(dist, axis=1)  # [N]
    quantized_flat = jnp.take(embed, argmin, axis=0)  # [N, C] gather (SparseCore)
    quantized = quantized_flat.reshape(B, H, W, C).transpose(0, 3, 1, 2)
    # commitment / codebook diff (VQ-VAE style)
    diff = jnp.mean((jax.lax.stop_gradient(quantized) - z) ** 2)
    # straight-through estimator
    z_q = z + jax.lax.stop_gradient(quantized - z)
    # perplexity of code usage
    onehot_counts = jnp.bincount(argmin, length=NUM_EMBEDDINGS).astype(jnp.float32)
    probs = onehot_counts / jnp.maximum(jnp.sum(onehot_counts), 1.0)
    ppl = jnp.exp(-jnp.sum(jnp.where(probs > 0, probs * jnp.log(probs + 1e-10), 0.0)))
    argmin = argmin.reshape(B, H, W)
    return z_q, diff, argmin, ppl


def reference(z_e, codebooks):
    # QLayer.up quantization stage: split channels across codebooks, quantize each, concat.
    z_e_s = jnp.split(z_e, NUM_CODEBOOKS, axis=1)
    z_q_s, diffs, argmins, ppls = [], [], [], []
    for i in range(NUM_CODEBOOKS):
        z_q, diff, argmin, ppl = _quantize_one(z_e_s[i], codebooks[i])
        z_q_s.append(z_q)
        diffs.append(diff)
        argmins.append(argmin)
        ppls.append(ppl)
    z_q = jnp.concatenate(z_q_s, axis=1)
    diff_total = jnp.stack(diffs).sum() / NUM_CODEBOOKS
    return (z_q, diff_total, jnp.stack(argmins), jnp.stack(ppls))

if __name__ == "__main__":
    import jax
    _d = setup_inputs()
    print(jax.jit(kernel)(*tuple(_d.values())))

</pallas_src>

<mosaic_0001>
#map = affine_map<(d0, d1) -> (0, 0)>
#map1 = affine_map<(d0, d1) -> (0)>
module attributes {stable_mosaic.version = 14 : i64} {
  func.func @sc_kernel(%arg0: i32, %arg1: i32, %arg2: memref<32768x128xf32, #tpu.memory_space<hbm>>, %arg3: memref<262144xi32, #tpu.memory_space<hbm>>, %arg4: memref<262144x128xf32, #tpu.memory_space<hbm>>, %arg5: memref<2x32768xf32, #tpu.memory_space<hbm>>, %arg6: memref<128xi32, #tpu.memory_space<vmem>>, %arg7: memref<128x128xf32, #tpu.memory_space<vmem>>, %arg8: memref<128xf32, #tpu.memory_space<vmem>>, %arg9: memref<2048xf32, #tpu.memory_space<vmem>>, %arg10: memref<32768xf32, #tpu.memory_space<vmem_shared>>, %arg11: memref<!tpu.dma_semaphore, #tpu.memory_space<semaphore_mem>>) attributes {dimension_semantics = [#tpu.dimension_semantics<core_parallel>, #tpu.dimension_semantics<subcore_parallel>], iteration_bounds = array<i64: 2, 16>, scalar_prefetch = 0 : i64, scratch_operands = 6 : i64, tpu.core_type = #tpu.core_type<sc_vector_subcore>, window_params = [{transform_indices = #map}, {transform_indices = #map1}, {transform_indices = #map}, {transform_indices = #map}]} {
    %mul3A = arith.constant 2 : i32
    %mul3A_0 = arith.muli %arg1, %mul3A : i32
    %add3A = arith.addi %mul3A_0, %arg0 : i32
    %mul3A_1 = arith.constant 8192 : i32
    %mul3A_2 = arith.muli %add3A, %mul3A_1 : i32
    %broadcast_in_dim3A = arith.constant 1.000000e+00 : f32
    %broadcast_in_dim3A_3 = vector.broadcast %broadcast_in_dim3A : f32 to vector<16xf32>
    %swap3A = arith.constant 0 : index
    %swap3A_4 = tpu.vector_load %arg8[%swap3A] {strides = array<i32>} : memref<128xf32, #tpu.memory_space<vmem>>, vector<16xf32>,
    %swap3A_5 = vector.shape_cast %swap3A_4 : vector<16xf32> to vector<16xf32>
    %swap3A_6 = vector.shape_cast %broadcast_in_dim3A_3 : vector<16xf32> to vector<16xf32>
    tpu.vector_store %arg8[%swap3A], %swap3A_6 {strides = array<i32>} : memref<128xf32, #tpu.memory_space<vmem>>, vector<16xf32>,
    %broadcast_in_dim3A_7 = arith.constant 1.000000e+00 : f32
    %broadcast_in_dim3A_8 = vector.broadcast %broadcast_in_dim3A_7 : f32 to vector<16xf32>
    %swap3A_9 = arith.constant 16 : index
    %swap3A_10 = tpu.vector_load %arg8[%swap3A_9] {strides = array<i32>} : memref<128xf32, #tpu.memory_space<vmem>>, vector<16xf32>,
    %swap3A_11 = vector.shape_cast %swap3A_10 : vector<16xf32> to vector<16xf32>
    %swap3A_12 = vector.shape_cast %broadcast_in_dim3A_8 : vector<16xf32> to vector<16xf32>
    tpu.vector_store %arg8[%swap3A_9], %swap3A_12 {strides = array<i32>} : memref<128xf32, #tpu.memory_space<vmem>>, vector<16xf32>,
    %broadcast_in_dim3A_13 = arith.constant 1.000000e+00 : f32
    %broadcast_in_dim3A_14 = vector.broadcast %broadcast_in_dim3A_13 : f32 to vector<16xf32>
    %swap3A_15 = arith.constant 32 : index
    %swap3A_16 = tpu.vector_load %arg8[%swap3A_15] {strides = array<i32>} : memref<128xf32, #tpu.memory_space<vmem>>, vector<16xf32>,
    %swap3A_17 = vector.shape_cast %swap3A_16 : vector<16xf32> to vector<16xf32>
    %swap3A_18 = vector.shape_cast %broadcast_in_dim3A_14 : vector<16xf32> to vector<16xf32>
    tpu.vector_store %arg8[%swap3A_15], %swap3A_18 {strides = array<i32>} : memref<128xf32, #tpu.memory_space<vmem>>, vector<16xf32>,
    %broadcast_in_dim3A_19 = arith.constant 1.000000e+00 : f32
    %broadcast_in_dim3A_20 = vector.broadcast %broadcast_in_dim3A_19 : f32 to vector<16xf32>
    %swap3A_21 = arith.constant 48 : index
    %swap3A_22 = tpu.vector_load %arg8[%swap3A_21] {strides = array<i32>} : memref<128xf32, #tpu.memory_space<vmem>>, vector<16xf32>,
    %swap3A_23 = vector.shape_cast %swap3A_22 : vector<16xf32> to vector<16xf32>
    %swap3A_24 = vector.shape_cast %broadcast_in_dim3A_20 : vector<16xf32> to vector<16xf32>
    tpu.vector_store %arg8[%swap3A_21], %swap3A_24 {strides = array<i32>} : memref<128xf32, #tpu.memory_space<vmem>>, vector<16xf32>,
    %broadcast_in_dim3A_25 = arith.constant 1.000000e+00 : f32
    %broadcast_in_dim3A_26 = vector.broadcast %broadcast_in_dim3A_25 : f32 to vector<16xf32>
    %swap3A_27 = arith.constant 64 : index
    %swap3A_28 = tpu.vector_load %arg8[%swap3A_27] {strides = array<i32>} : memref<128xf32, #tpu.memory_space<vmem>>, vector<16xf32>,
    %swap3A_29 = vector.shape_cast %swap3A_28 : vector<16xf32> to vector<16xf32>
    %swap3A_30 = vector.shape_cast %broadcast_in_dim3A_26 : vector<16xf32> to vector<16xf32>
    tpu.vector_store %arg8[%swap3A_27], %swap3A_30 {strides = array<i32>} : memref<128xf32, #tpu.memory_space<vmem>>, vector<16xf32>,
    %broadcast_in_dim3A_31 = arith.constant 1.000000e+00 : f32
    %broadcast_in_dim3A_32 = vector.broadcast %broadcast_in_dim3A_31 : f32 to vector<16xf32>
    %swap3A_33 = arith.constant 80 : index
    %swap3A_34 = tpu.vector_load %arg8[%swap3A_33] {strides = array<i32>} : memref<128xf32, #tpu.memory_space<vmem>>, vector<16xf32>,
    %swap3A_35 = vector.shape_cast %swap3A_34 : vector<16xf32> to vector<16xf32>
    %swap3A_36 = vector.shape_cast %broadcast_in_dim3A_32 : vector<16xf32> to vector<16xf32>
    tpu.vector_store %arg8[%swap3A_33], %swap3A_36 {strides = array<i32>} : memref<128xf32, #tpu.memory_space<vmem>>, vector<16xf32>,
    %broadcast_in_dim3A_37 = arith.constant 1.000000e+00 : f32
    %broadcast_in_dim3A_38 = vector.broadcast %broadcast_in_dim3A_37 : f32 to vector<16xf32>
    %swap3A_39 = arith.constant 96 : index
    %swap3A_40 = tpu.vector_load %arg8[%swap3A_39] {strides = array<i32>} : memref<128xf32, #tpu.memory_space<vmem>>, vector<16xf32>,
    %swap3A_41 = vector.shape_cast %swap3A_40 : vector<16xf32> to vector<16xf32>
    %swap3A_42 = vector.shape_cast %broadcast_in_dim3A_38 : vector<16xf32> to vector<16xf32>
    tpu.vector_store %arg8[%swap3A_39], %swap3A_42 {strides = array<i32>} : memref<128xf32, #tpu.memory_space<vmem>>, vector<16xf32>,
    %broadcast_in_dim3A_43 = arith.constant 1.000000e+00 : f32
    %broadcast_in_dim3A_44 = vector.broadcast %broadcast_in_dim3A_43 : f32 to vector<16xf32>
    %swap3A_45 = arith.constant 112 : index
    %swap3A_46 = tpu.vector_load %arg8[%swap3A_45] {strides = array<i32>} : memref<128xf32, #tpu.memory_space<vmem>>, vector<16xf32>,
    %swap3A_47 = vector.shape_cast %swap3A_46 : vector<16xf32> to vector<16xf32>
    %swap3A_48 = vector.shape_cast %broadcast_in_dim3A_44 : vector<16xf32> to vector<16xf32>
    tpu.vector_store %arg8[%swap3A_45], %swap3A_48 {strides = array<i32>} : memref<128xf32, #tpu.memory_space<vmem>>, vector<16xf32>,
    %eq3A = arith.constant 0 : i32
    %eq3A_49 = arith.cmpi eq, %arg1, %eq3A : i32
    %convert_element_type3A = arith.extui %eq3A_49 : i1 to i32
    %cond3A = arith.constant 0 : i32
    %cond3A_50 = arith.cmpi ne, %convert_element_type3A, %cond3A : i32
    scf.if %cond3A_50 {
      %broadcast_in_dim3A_62 = arith.constant 0.000000e+00 : f32
      %broadcast_in_dim3A_63 = vector.broadcast %broadcast_in_dim3A_62 : f32 to vector<16xf32>
      %swap3A_64 = arith.constant 0 : index
      %swap3A_65 = tpu.vector_load %arg9[%swap3A_64] {strides = array<i32>} : memref<2048xf32, #tpu.memory_space<vmem>>, vector<16xf32>,
      %swap3A_66 = vector.shape_cast %swap3A_65 : vector<16xf32> to vector<16xf32>
      %swap3A_67 = vector.shape_cast %broadcast_in_dim3A_63 : vector<16xf32> to vector<16xf32>
      tpu.vector_store %arg9[%swap3A_64], %swap3A_67 {strides = array<i32>} : memref<2048xf32, #tpu.memory_space<vmem>>, vector<16xf32>,
      %broadcast_in_dim3A_68 = arith.constant 0.000000e+00 : f32
      %broadcast_in_dim3A_69 = vector.broadcast %broadcast_in_dim3A_68 : f32 to vector<16xf32>
      %swap3A_70 = arith.constant 16 : index
      %swap3A_71 = tpu.vector_load %arg9[%swap3A_70] {strides = array<i32>} : memref<2048xf32, #tpu.memory_space<vmem>>, vector<16xf32>,
      %swap3A_72 = vector.shape_cast %swap3A_71 : vector<16xf32> to vector<16xf32>
      %swap3A_73 = vector.shape_cast %broadcast_in_dim3A_69 : vector<16xf32> to vector<16xf32>
      tpu.vector_store %arg9[%swap3A_70], %swap3A_73 {strides = array<i32>} : memref<2048xf32, #tpu.memory_space<vmem>>, vector<16xf32>,
      %broadcast_in_dim3A_74 = arith.constant 0.000000e+00 : f32
      %broadcast_in_dim3A_75 = vector.broadcast %broadcast_in_dim3A_74 : f32 to vector<16xf32>
      %swap3A_76 = arith.constant 32 : index
      %swap3A_77 = tpu.vector_load %arg9[%swap3A_76] {strides = array<i32>} : memref<2048xf32, #tpu.memory_space<vmem>>, vector<16xf32>,
      %swap3A_78 = vector.shape_cast %swap3A_77 : vector<16xf32> to vector<16xf32>
      %swap3A_79 = vector.shape_cast %broadcast_in_dim3A_75 : vector<16xf32> to vector<16xf32>
      tpu.vector_store %arg9[%swap3A_76], %swap3A_79 {strides = array<i32>} : memref<2048xf32, #tpu.memory_space<vmem>>, vector<16xf32>,
      %broadcast_in_dim3A_80 = arith.constant 0.000000e+00 : f32
      %broadcast_in_dim3A_81 = vector.broadcast %broadcast_in_dim3A_80 : f32 to vector<16xf32>
      %swap3A_82 = arith.constant 48 : index
      %swap3A_83 = tpu.vector_load %arg9[%swap3A_82] {strides = array<i32>} : memref<2048xf32, #tpu.memory_space<vmem>>, vector<16xf32>,
      %swap3A_84 = vector.shape_cast %swap3A_83 : vector<16xf32> to vector<16xf32>
      %swap3A_85 = vector.shape_cast %broadcast_in_dim3A_81 : vector<16xf32> to vector<16xf32>
      tpu.vector_store %arg9[%swap3A_82], %swap3A_85 {strides = array<i32>} : memref<2048xf32, #tpu.memory_space<vmem>>, vector<16xf32>,
      %broadcast_in_dim3A_86 = arith.constant 0.000000e+00 : f32
      %broadcast_in_dim3A_87 = vector.broadcast %broadcast_in_dim3A_86 : f32 to vector<16xf32>
      %swap3A_88 = arith.constant 64 : index
      %swap3A_89 = tpu.vector_load %arg9[%swap3A_88] {strides = array<i32>} : memref<2048xf32, #tpu.memory_space<vmem>>, vector<16xf32>,
      %swap3A_90 = vector.shape_cast %swap3A_89 : vector<16xf32> to vector<16xf32>
      %swap3A_91 = vector.shape_cast %broadcast_in_dim3A_87 : vector<16xf32> to vector<16xf32>
      tpu.vector_store %arg9[%swap3A_88], %swap3A_91 {strides = array<i32>} : memref<2048xf32, #tpu.memory_space<vmem>>, vector<16xf32>,
      %broadcast_in_dim3A_92 = arith.constant 0.000000e+00 : f32
      %broadcast_in_dim3A_93 = vector.broadcast %broadcast_in_dim3A_92 : f32 to vector<16xf32>
      %swap3A_94 = arith.constant 80 : index
      %swap3A_95 = tpu.vector_load %arg9[%swap3A_94] {strides = array<i32>} : memref<2048xf32, #tpu.memory_space<vmem>>, vector<16xf32>,
      %swap3A_96 = vector.shape_cast %swap3A_95 : vector<16xf32> to vector<16xf32>
      %swap3A_97 = vector.shape_cast %broadcast_in_dim3A_93 : vector<16xf32> to vector<16xf32>
      tpu.vector_store %arg9[%swap3A_94], %swap3A_97 {strides = array<i32>} : memref<2048xf32, #tpu.memory_space<vmem>>, vector<16xf32>,
      %broadcast_in_dim3A_98 = arith.constant 0.000000e+00 : f32
      %broadcast_in_dim3A_99 = vector.broadcast %broadcast_in_dim3A_98 : f32 to vector<16xf32>
      %swap3A_100 = arith.constant 96 : index
      %swap3A_101 = tpu.vector_load %arg9[%swap3A_100] {strides = array<i32>} : memref<2048xf32, #tpu.memory_space<vmem>>, vector<16xf32>,
      %swap3A_102 = vector.shape_cast %swap3A_101 : vector<16xf32> to vector<16xf32>
      %swap3A_103 = vector.shape_cast %broadcast_in_dim3A_99 : vector<16xf32> to vector<16xf32>
      tpu.vector_store %arg9[%swap3A_100], %swap3A_103 {strides = array<i32>} : memref<2048xf32, #tpu.memory_space<vmem>>, vector<16xf32>,
      %broadcast_in_dim3A_104 = arith.constant 0.000000e+00 : f32
      %broadcast_in_dim3A_105 = vector.broadcast %broadcast_in_dim3A_104 : f32 to vector<16xf32>
      %swap3A_106 = arith.constant 112 : index
      %swap3A_107 = tpu.vector_load %arg9[%swap3A_106] {strides = array<i32>} : memref<2048xf32, #tpu.memory_space<vmem>>, vector<16xf32>,
      %swap3A_108 = vector.shape_cast %swap3A_107 : vector<16xf32> to vector<16xf32>
      %swap3A_109 = vector.shape_cast %broadcast_in_dim3A_105 : vector<16xf32> to vector<16xf32>
      tpu.vector_store %arg9[%swap3A_106], %swap3A_109 {strides = array<i32>} : memref<2048xf32, #tpu.memory_space<vmem>>, vector<16xf32>,
      %broadcast_in_dim3A_110 = arith.constant 0.000000e+00 : f32
      %broadcast_in_dim3A_111 = vector.broadcast %broadcast_in_dim3A_110 : f32 to vector<16xf32>
      %swap3A_112 = arith.constant 128 : index
      %swap3A_113 = tpu.vector_load %arg9[%swap3A_112] {strides = array<i32>} : memref<2048xf32, #tpu.memory_space<vmem>>, vector<16xf32>,
      %swap3A_114 = vector.shape_cast %swap3A_113 : vector<16xf32> to vector<16xf32>
      %swap3A_115 = vector.shape_cast %broadcast_in_dim3A_111 : vector<16xf32> to vector<16xf32>
      tpu.vector_store %arg9[%swap3A_112], %swap3A_115 {strides = array<i32>} : memref<2048xf32, #tpu.memory_space<vmem>>, vector<16xf32>,
      %broadcast_in_dim3A_116 = arith.constant 0.000000e+00 : f32
      %broadcast_in_dim3A_117 = vector.broadcast %broadcast_in_dim3A_116 : f32 to vector<16xf32>
      %swap3A_118 = arith.constant 144 : index
      %swap3A_119 = tpu.vector_load %arg9[%swap3A_118] {strides = array<i32>} : memref<2048xf32, #tpu.memory_space<vmem>>, vector<16xf32>,
      %swap3A_120 = vector.shape_cast %swap3A_119 : vector<16xf32> to vector<16xf32>
      %swap3A_121 = vector.shape_cast %broadcast_in_dim3A_117 : vector<16xf32> to vector<16xf32>
      tpu.vector_store %arg9[%swap3A_118], %swap3A_121 {strides = array<i32>} : memref<2048xf32, #tpu.memory_space<vmem>>, vector<16xf32>,
      %broadcast_in_dim3A_122 = arith.constant 0.000000e+00 : f32
      %broadcast_in_dim3A_123 = vector.broadcast %broadcast_in_dim3A_122 : f32 to vector<16xf32>
      %swap3A_124 = arith.constant 160 : index
      %swap3A_125 = tpu.vector_load %arg9[%swap3A_124] {strides = array<i32>} : memref<2048xf32, #tpu.memory_space<vmem>>, vector<16xf32>,
      %swap3A_126 = vector.shape_cast %swap3A_125 : vector<16xf32> to vector<16xf32>
      %swap3A_127 = vector.shape_cast %broadcast_in_dim3A_123 : vector<16xf32> to vector<16xf32>
      tpu.vector_store %arg9[%swap3A_124], %swap3A_127 {strides = array<i32>} : memref<2048xf32, #tpu.memory_space<vmem>>, vector<16xf32>,
      %broadcast_in_dim3A_128 = arith.constant 0.000000e+00 : f32
      %broadcast_in_dim3A_129 = vector.broadcast %broadcast_in_dim3A_128 : f32 to vector<16xf32>
      %swap3A_130 = arith.constant 176 : index
      %swap3A_131 = tpu.vector_load %arg9[%swap3A_130] {strides = array<i32>} : memref<2048xf32, #tpu.memory_space<vmem>>, vector<16xf32>,
      %swap3A_132 = vector.shape_cast %swap3A_131 : vector<16xf32> to vector<16xf32>
      %swap3A_133 = vector.shape_cast %broadcast_in_dim3A_129 : vector<16xf32> to vector<16xf32>
      tpu.vector_store %arg9[%swap3A_130], %swap3A_133 {strides = array<i32>} : memref<2048xf32, #tpu.memory_space<vmem>>, vector<16xf32>,
      %broadcast_in_dim3A_134 = arith.constant 0.000000e+00 : f32
      %broadcast_in_dim3A_135 = vector.broadcast %broadcast_in_dim3A_134 : f32 to vector<16xf32>
      %swap3A_136 = arith.constant 192 : index
      %swap3A_137 = tpu.vector_load %arg9[%swap3A_136] {strides = array<i32>} : memref<2048xf32, #tpu.memory_space<vmem>>, vector<16xf32>,
      %swap3A_138 = vector.shape_cast %swap3A_137 : vector<16xf32> to vector<16xf32>
      %swap3A_139 = vector.shape_cast %broadcast_in_dim3A_135 : vector<16xf32> to vector<16xf32>
      tpu.vector_store %arg9[%swap3A_136], %swap3A_139 {strides = array<i32>} : memref<2048xf32, #tpu.memory_space<vmem>>, vector<16xf32>,
      %broadcast_in_dim3A_140 = arith.constant 0.000000e+00 : f32
      %broadcast_in_dim3A_141 = vector.broadcast %broadcast_in_dim3A_140 : f32 to vector<16xf32>
      %swap3A_142 = arith.constant 208 : index
      %swap3A_143 = tpu.vector_load %arg9[%swap3A_142] {strides = array<i32>} : memref<2048xf32, #tpu.memory_space<vmem>>, vector<16xf32>,
      %swap3A_144 = vector.shape_cast %swap3A_143 : vector<16xf32> to vector<16xf32>
      %swap3A_145 = vector.shape_cast %broadcast_in_dim3A_141 : vector<16xf32> to vector<16xf32>
      tpu.vector_store %arg9[%swap3A_142], %swap3A_145 {strides = array<i32>} : memref<2048xf32, #tpu.memory_space<vmem>>, vector<16xf32>,
      %broadcast_in_dim3A_146 = arith.constant 0.000000e+00 : f32
      %broadcast_in_dim3A_147 = vector.broadcast %broadcast_in_dim3A_146 : f32 to vector<16xf32>
      %swap3A_148 = arith.constant 224 : index
      %swap3A_149 = tpu.vector_load %arg9[%swap3A_148] {strides = array<i32>} : memref<2048xf32, #tpu.memory_space<vmem>>, vector<16xf32>,
      %swap3A_150 = vector.shape_cast %swap3A_149 : vector<16xf32> to vector<16xf32>
      %swap3A_151 = vector.shape_cast %broadcast_in_dim3A_147 : vector<16xf32> to vector<16xf32>
      tpu.vector_store %arg9[%swap3A_148], %swap3A_151 {strides = array<i32>} : memref<2048xf32, #tpu.memory_space<vmem>>, vector<16xf32>,
      %broadcast_in_dim3A_152 = arith.constant 0.000000e+00 : f32
      %broadcast_in_dim3A_153 = vector.broadcast %broadcast_in_dim3A_152 : f32 to vector<16xf32>
      %swap3A_154 = arith.constant 240 : index
      %swap3A_155 = tpu.vector_load %arg9[%swap3A_154] {strides = array<i32>} : memref<2048xf32, #tpu.memory_space<vmem>>, vector<16xf32>,
      %swap3A_156 = vector.shape_cast %swap3A_155 : vector<16xf32> to vector<16xf32>
      %swap3A_157 = vector.shape_cast %broadcast_in_dim3A_153 : vector<16xf32> to vector<16xf32>
      tpu.vector_store %arg9[%swap3A_154], %swap3A_157 {strides = array<i32>} : memref<2048xf32, #tpu.memory_space<vmem>>, vector<16xf32>,
      %broadcast_in_dim3A_158 = arith.constant 0.000000e+00 : f32
      %broadcast_in_dim3A_159 = vector.broadcast %broadcast_in_dim3A_158 : f32 to vector<16xf32>
      %swap3A_160 = arith.constant 256 : index
      %swap3A_161 = tpu.vector_load %arg9[%swap3A_160] {strides = array<i32>} : memref<2048xf32, #tpu.memory_space<vmem>>, vector<16xf32>,
      %swap3A_162 = vector.shape_cast %swap3A_161 : vector<16xf32> to vector<16xf32>
      %swap3A_163 = vector.shape_cast %broadcast_in_dim3A_159 : vector<16xf32> to vector<16xf32>
      tpu.vector_store %arg9[%swap3A_160], %swap3A_163 {strides = array<i32>} : memref<2048xf32, #tpu.memory_space<vmem>>, vector<16xf32>,
      %broadcast_in_dim3A_164 = arith.constant 0.000000e+00 : f32
      %broadcast_in_dim3A_165 = vector.broadcast %broadcast_in_dim3A_164 : f32 to vector<16xf32>
      %swap3A_166 = arith.constant 272 : index
      %swap3A_167 = tpu.vector_load %arg9[%swap3A_166] {strides = array<i32>} : memref<2048xf32, #tpu.memory_space<vmem>>, vector<16xf32>,
      %swap3A_168 = vector.shape_cast %swap3A_167 : vector<16xf32> to vector<16xf32>
      %swap3A_169 = vector.shape_cast %broadcast_in_dim3A_165 : vector<16xf32> to vector<16xf32>
      tpu.vector_store %arg9[%swap3A_166], %swap3A_169 {strides = array<i32>} : memref<2048xf32, #tpu.memory_space<vmem>>, vector<16xf32>,
      %broadcast_in_dim3A_170 = arith.constant 0.000000e+00 : f32
      %broadcast_in_dim3A_171 = vector.broadcast %broadcast_in_dim3A_170 : f32 to vector<16xf32>
      %swap3A_172 = arith.constant 288 : index
      %swap3A_173 = tpu.vector_load %arg9[%swap3A_172] {strides = array<i32>} : memref<2048xf32, #tpu.memory_space<vmem>>, vector<16xf32>,
      %swap3A_174 = vector.shape_cast %swap3A_173 : vector<16xf32> to vector<16xf32>
      %swap3A_175 = vector.shape_cast %broadcast_in_dim3A_171 : vector<16xf32> to vector<16xf32>
      tpu.vector_store %arg9[%swap3A_172], %swap3A_175 {strides = array<i32>} : memref<2048xf32, #tpu.memory_space<vmem>>, vector<16xf32>,
      %broadcast_in_dim3A_176 = arith.constant 0.000000e+00 : f32
      %broadcast_in_dim3A_177 = vector.broadcast %broadcast_in_dim3A_176 : f32 to vector<16xf32>
      %swap3A_178 = arith.constant 304 : index
      %swap3A_179 = tpu.vector_load %arg9[%swap3A_178] {strides = array<i32>} : memref<2048xf32, #tpu.memory_space<vmem>>, vector<16xf32>,
      %swap3A_180 = vector.shape_cast %swap3A_179 : vector<16xf32> to vector<16xf32>
      %swap3A_181 = vector.shape_cast %broadcast_in_dim3A_177 : vector<16xf32> to vector<16xf32>
      tpu.vector_store %arg9[%swap3A_178], %swap3A_181 {strides = array<i32>} : memref<2048xf32, #tpu.memory_space<vmem>>, vector<16xf32>,
      %broadcast_in_dim3A_182 = arith.constant 0.000000e+00 : f32
      %broadcast_in_dim3A_183 = vector.broadcast %broadcast_in_dim3A_182 : f32 to vector<16xf32>
      %swap3A_184 = arith.constant 320 : index
      %swap3A_185 = tpu.vector_load %arg9[%swap3A_184] {strides = array<i32>} : memref<2048xf32, #tpu.memory_space<vmem>>, vector<16xf32>,
      %swap3A_186 = vector.shape_cast %swap3A_185 : vector<16xf32> to vector<16xf32>
      %swap3A_187 = vector.shape_cast %broadcast_in_dim3A_183 : vector<16xf32> to vector<16xf32>
      tpu.vector_store %arg9[%swap3A_184], %swap3A_187 {strides = array<i32>} : memref<2048xf32, #tpu.memory_space<vmem>>, vector<16xf32>,
      %broadcast_in_dim3A_188 = arith.constant 0.000000e+00 : f32
      %broadcast_in_dim3A_189 = vector.broadcast %broadcast_in_dim3A_188 : f32 to vector<16xf32>
      %swap3A_190 = arith.constant 336 : index
      %swap3A_191 = tpu.vector_load %arg9[%swap3A_190] {strides = array<i32>} : memref<2048xf32, #tpu.memory_space<vmem>>, vector<16xf32>,
      %swap3A_192 = vector.shape_cast %swap3A_191 : vector<16xf32> to vector<16xf32>
      %swap3A_193 = vector.shape_cast %broadcast_in_dim3A_189 : vector<16xf32> to vector<16xf32>
      tpu.vector_store %arg9[%swap3A_190], %swap3A_193 {strides = array<i32>} : memref<2048xf32, #tpu.memory_space<vmem>>, vector<16xf32>,
      %broadcast_in_dim3A_194 = arith.constant 0.000000e+00 : f32
      %broadcast_in_dim3A_195 = vector.broadcast %broadcast_in_dim3A_194 : f32 to vector<16xf32>
      %swap3A_196 = arith.constant 352 : index
      %swap3A_197 = tpu.vector_load %arg9[%swap3A_196] {strides = array<i32>} : memref<2048xf32, #tpu.memory_space<vmem>>, vector<16xf32>,
      %swap3A_198 = vector.shape_cast %swap3A_197 : vector<16xf32> to vector<16xf32>
      %swap3A_199 = vector.shape_cast %broadcast_in_dim3A_195 : vector<16xf32> to vector<16xf32>
      tpu.vector_store %arg9[%swap3A_196], %swap3A_199 {strides = array<i32>} : memref<2048xf32, #tpu.memory_space<vmem>>, vector<16xf32>,
      %broadcast_in_dim3A_200 = arith.constant 0.000000e+00 : f32
      %broadcast_in_dim3A_201 = vector.broadcast %broadcast_in_dim3A_200 : f32 to vector<16xf32>
      %swap3A_202 = arith.constant 368 : index
      %swap3A_203 = tpu.vector_load %arg9[%swap3A_202] {strides = array<i32>} : memref<2048xf32, #tpu.memory_space<vmem>>, vector<16xf32>,
      %swap3A_204 = vector.shape_cast %swap3A_203 : vector<16xf32> to vector<16xf32>
      %swap3A_205 = vector.shape_cast %broadcast_in_dim3A_201 : vector<16xf32> to vector<16xf32>
      tpu.vector_store %arg9[%swap3A_202], %swap3A_205 {strides = array<i32>} : memref<2048xf32, #tpu.memory_space<vmem>>, vector<16xf32>,
      %broadcast_in_dim3A_206 = arith.constant 0.000000e+00 : f32
      %broadcast_in_dim3A_207 = vector.broadcast %broadcast_in_dim3A_206 : f32 to vector<16xf32>
      %swap3A_208 = arith.constant 384 : index
      %swap3A_209 = tpu.vector_load %arg9[%swap3A_208] {strides = array<i32>} : memref<2048xf32, #tpu.memory_space<vmem>>, vector<16xf32>,
      %swap3A_210 = vector.shape_cast %swap3A_209 : vector<16xf32> to vector<16xf32>
      %swap3A_211 = vector.shape_cast %broadcast_in_dim3A_207 : vector<16xf32> to vector<16xf32>
      tpu.vector_store %arg9[%swap3A_208], %swap3A_211 {strides = array<i32>} : memref<2048xf32, #tpu.memory_space<vmem>>, vector<16xf32>,
      %broadcast_in_dim3A_212 = arith.constant 0.000000e+00 : f32
      %broadcast_in_dim3A_213 = vector.broadcast %broadcast_in_dim3A_212 : f32 to vector<16xf32>
      %swap3A_214 = arith.constant 400 : index
      %swap3A_215 = tpu.vector_load %arg9[%swap3A_214] {strides = array<i32>} : memref<2048xf32, #tpu.memory_space<vmem>>, vector<16xf32>,
      %swap3A_216 = vector.shape_cast %swap3A_215 : vector<16xf32> to vector<16xf32>
      %swap3A_217 = vector.shape_cast %broadcast_in_dim3A_213 : vector<16xf32> to vector<16xf32>
      tpu.vector_store %arg9[%swap3A_214], %swap3A_217 {strides = array<i32>} : memref<2048xf32, #tpu.memory_space<vmem>>, vector<16xf32>,
      %broadcast_in_dim3A_218 = arith.constant 0.000000e+00 : f32
      %broadcast_in_dim3A_219 = vector.broadcast %broadcast_in_dim3A_218 : f32 to vector<16xf32>
      %swap3A_220 = arith.constant 416 : index
      %swap3A_221 = tpu.vector_load %arg9[%swap3A_220] {strides = array<i32>} : memref<2048xf32, #tpu.memory_space<vmem>>, vector<16xf32>,
      %swap3A_222 = vector.shape_cast %swap3A_221 : vector<16xf32> to vector<16xf32>
      %swap3A_223 = vector.shape_cast %broadcast_in_dim3A_219 : vector<16xf32> to vector<16xf32>
      tpu.vector_store %arg9[%swap3A_220], %swap3A_223 {strides = array<i32>} : memref<2048xf32, #tpu.memory_space<vmem>>, vector<16xf32>,
      %broadcast_in_dim3A_224 = arith.constant 0.000000e+00 : f32
      %broadcast_in_dim3A_225 = vector.broadcast %broadcast_in_dim3A_224 : f32 to vector<16xf32>
      %swap3A_226 = arith.constant 432 : index
      %swap3A_227 = tpu.vector_load %arg9[%swap3A_226] {strides = array<i32>} : memref<2048xf32, #tpu.memory_space<vmem>>, vector<16xf32>,
      %swap3A_228 = vector.shape_cast %swap3A_227 : vector<16xf32> to vector<16xf32>
      %swap3A_229 = vector.shape_cast %broadcast_in_dim3A_225 : vector<16xf32> to vector<16xf32>
      tpu.vector_store %arg9[%swap3A_226], %swap3A_229 {strides = array<i32>} : memref<2048xf32, #tpu.memory_space<vmem>>, vector<16xf32>,
      %broadcast_in_dim3A_230 = arith.constant 0.000000e+00 : f32
      %broadcast_in_dim3A_231 = vector.broadcast %broadcast_in_dim3A_230 : f32 to vector<16xf32>
      %swap3A_232 = arith.constant 448 : index
      %swap3A_233 = tpu.vector_load %arg9[%swap3A_232] {strides = array<i32>} : memref<2048xf32, #tpu.memory_space<vmem>>, vector<16xf32>,
      %swap3A_234 = vector.shape_cast %swap3A_233 : vector<16xf32> to vector<16xf32>
      %swap3A_235 = vector.shape_cast %broadcast_in_dim3A_231 : vector<16xf32> to vector<16xf32>
      tpu.vector_store %arg9[%swap3A_232], %swap3A_235 {strides = array<i32>} : memref<2048xf32, #tpu.memory_space<vmem>>, vector<16xf32>,
      %broadcast_in_dim3A_236 = arith.constant 0.000000e+00 : f32
      %broadcast_in_dim3A_237 = vector.broadcast %broadcast_in_dim3A_236 : f32 to vector<16xf32>
      %swap3A_238 = arith.constant 464 : index
      %swap3A_239 = tpu.vector_load %arg9[%swap3A_238] {strides = array<i32>} : memref<2048xf32, #tpu.memory_space<vmem>>, vector<16xf32>,
      %swap3A_240 = vector.shape_cast %swap3A_239 : vector<16xf32> to vector<16xf32>
      %swap3A_241 = vector.shape_cast %broadcast_in_dim3A_237 : vector<16xf32> to vector<16xf32>
      tpu.vector_store %arg9[%swap3A_238], %swap3A_241 {strides = array<i32>} : memref<2048xf32, #tpu.memory_space<vmem>>, vector<16xf32>,
      %broadcast_in_dim3A_242 = arith.constant 0.000000e+00 : f32
      %broadcast_in_dim3A_243 = vector.broadcast %broadcast_in_dim3A_242 : f32 to vector<16xf32>
      %swap3A_244 = arith.constant 480 : index
      %swap3A_245 = tpu.vector_load %arg9[%swap3A_244] {strides = array<i32>} : memref<2048xf32, #tpu.memory_space<vmem>>, vector<16xf32>,
      %swap3A_246 = vector.shape_cast %swap3A_245 : vector<16xf32> to vector<16xf32>
      %swap3A_247 = vector.shape_cast %broadcast_in_dim3A_243 : vector<16xf32> to vector<16xf32>
      tpu.vector_store %arg9[%swap3A_244], %swap3A_247 {strides = array<i32>} : memref<2048xf32, #tpu.memory_space<vmem>>, vector<16xf32>,
      %broadcast_in_dim3A_248 = arith.constant 0.000000e+00 : f32
      %broadcast_in_dim3A_249 = vector.broadcast %broadcast_in_dim3A_248 : f32 to vector<16xf32>
      %swap3A_250 = arith.constant 496 : index
      %swap3A_251 = tpu.vector_load %arg9[%swap3A_250] {strides = array<i32>} : memref<2048xf32, #tpu.memory_space<vmem>>, vector<16xf32>,
      %swap3A_252 = vector.shape_cast %swap3A_251 : vector<16xf32> to vector<16xf32>
      %swap3A_253 = vector.shape_cast %broadcast_in_dim3A_249 : vector<16xf32> to vector<16xf32>
      tpu.vector_store %arg9[%swap3A_250], %swap3A_253 {strides = array<i32>} : memref<2048xf32, #tpu.memory_space<vmem>>, vector<16xf32>,
      %broadcast_in_dim3A_254 = arith.constant 0.000000e+00 : f32
      %broadcast_in_dim3A_255 = vector.broadcast %broadcast_in_dim3A_254 : f32 to vector<16xf32>
      %swap3A_256 = arith.constant 512 : index
      %swap3A_257 = tpu.vector_load %arg9[%swap3A_256] {strides = array<i32>} : memref<2048xf32, #tpu.memory_space<vmem>>, vector<16xf32>,
      %swap3A_258 = vector.shape_cast %swap3A_257 : vector<16xf32> to vector<16xf32>
      %swap3A_259 = vector.shape_cast %broadcast_in_dim3A_255 : vector<16xf32> to vector<16xf32>
      tpu.vector_store %arg9[%swap3A_256], %swap3A_259 {strides = array<i32>} : memref<2048xf32, #tpu.memory_space<vmem>>, vector<16xf32>,
      %broadcast_in_dim3A_260 = arith.constant 0.000000e+00 : f32
      %broadcast_in_dim3A_261 = vector.broadcast %broadcast_in_dim3A_260 : f32 to vector<16xf32>
      %swap3A_262 = arith.constant 528 : index
      %swap3A_263 = tpu.vector_load %arg9[%swap3A_262] {strides = array<i32>} : memref<2048xf32, #tpu.memory_space<vmem>>, vector<16xf32>,
      %swap3A_264 = vector.shape_cast %swap3A_263 : vector<16xf32> to vector<16xf32>
      %swap3A_265 = vector.shape_cast %broadcast_in_dim3A_261 : vector<16xf32> to vector<16xf32>
      tpu.vector_store %arg9[%swap3A_262], %swap3A_265 {strides = array<i32>} : memref<2048xf32, #tpu.memory_space<vmem>>, vector<16xf32>,
      %broadcast_in_dim3A_266 = arith.constant 0.000000e+00 : f32
      %broadcast_in_dim3A_267 = vector.broadcast %broadcast_in_dim3A_266 : f32 to vector<16xf32>
      %swap3A_268 = arith.constant 544 : index
      %swap3A_269 = tpu.vector_load %arg9[%swap3A_268] {strides = array<i32>} : memref<2048xf32, #tpu.memory_space<vmem>>, vector<16xf32>,
      %swap3A_270 = vector.shape_cast %swap3A_269 : vector<16xf32> to vector<16xf32>
      %swap3A_271 = vector.shape_cast %broadcast_in_dim3A_267 : vector<16xf32> to vector<16xf32>
      tpu.vector_store %arg9[%swap3A_268], %swap3A_271 {strides = array<i32>} : memref<2048xf32, #tpu.memory_space<vmem>>, vector<16xf32>,
      %broadcast_in_dim3A_272 = arith.constant 0.000000e+00 : f32
      %broadcast_in_dim3A_273 = vector.broadcast %broadcast_in_dim3A_272 : f32 to vector<16xf32>
      %swap3A_274 = arith.constant 560 : index
      %swap3A_275 = tpu.vector_load %arg9[%swap3A_274] {strides = array<i32>} : memref<2048xf32, #tpu.memory_space<vmem>>, vector<16xf32>,
      %swap3A_276 = vector.shape_cast %swap3A_275 : vector<16xf32> to vector<16xf32>
      %swap3A_277 = vector.shape_cast %broadcast_in_dim3A_273 : vector<16xf32> to vector<16xf32>
      tpu.vector_store %arg9[%swap3A_274], %swap3A_277 {strides = array<i32>} : memref<2048xf32, #tpu.memory_space<vmem>>, vector<16xf32>,
      %broadcast_in_dim3A_278 = arith.constant 0.000000e+00 : f32
      %broadcast_in_dim3A_279 = vector.broadcast %broadcast_in_dim3A_278 : f32 to vector<16xf32>
      %swap3A_280 = arith.constant 576 : index
      %swap3A_281 = tpu.vector_load %arg9[%swap3A_280] {strides = array<i32>} : memref<2048xf32, #tpu.memory_space<vmem>>, vector<16xf32>,
      %swap3A_282 = vector.shape_cast %swap3A_281 : vector<16xf32> to vector<16xf32>
      %swap3A_283 = vector.shape_cast %broadcast_in_dim3A_279 : vector<16xf32> to vector<16xf32>
      tpu.vector_store %arg9[%swap3A_280], %swap3A_283 {strides = array<i32>} : memref<2048xf32, #tpu.memory_space<vmem>>, vector<16xf32>,
      %broadcast_in_dim3A_284 = arith.constant 0.000000e+00 : f32
      %broadcast_in_dim3A_285 = vector.broadcast %broadcast_in_dim3A_284 : f32 to vector<16xf32>
      %swap3A_286 = arith.constant 592 : index
      %swap3A_287 = tpu.vector_load %arg9[%swap3A_286] {strides = array<i32>} : memref<2048xf32, #tpu.memory_space<vmem>>, vector<16xf32>,
      %swap3A_288 = vector.shape_cast %swap3A_287 : vector<16xf32> to vector<16xf32>
      %swap3A_289 = vector.shape_cast %broadcast_in_dim3A_285 : vector<16xf32> to vector<16xf32>
      tpu.vector_store %arg9[%swap3A_286], %swap3A_289 {strides = array<i32>} : memref<2048xf32, #tpu.memory_space<vmem>>, vector<16xf32>,
      %broadcast_in_dim3A_290 = arith.constant 0.000000e+00 : f32
      %broadcast_in_dim3A_291 = vector.broadcast %broadcast_in_dim3A_290 : f32 to vector<16xf32>
      %swap3A_292 = arith.constant 608 : index
      %swap3A_293 = tpu.vector_load %arg9[%swap3A_292] {strides = array<i32>} : memref<2048xf32, #tpu.memory_space<vmem>>, vector<16xf32>,
      %swap3A_294 = vector.shape_cast %swap3A_293 : vector<16xf32> to vector<16xf32>
      %swap3A_295 = vector.shape_cast %broadcast_in_dim3A_291 : vector<16xf32> to vector<16xf32>
      tpu.vector_store %arg9[%swap3A_292], %swap3A_295 {strides = array<i32>} : memref<2048xf32, #tpu.memory_space<vmem>>, vector<16xf32>,
      %broadcast_in_dim3A_296 = arith.constant 0.000000e+00 : f32
      %broadcast_in_dim3A_297 = vector.broadcast %broadcast_in_dim3A_296 : f32 to vector<16xf32>
      %swap3A_298 = arith.constant 624 : index
      %swap3A_299 = tpu.vector_load %arg9[%swap3A_298] {strides = array<i32>} : memref<2048xf32, #tpu.memory_space<vmem>>, vector<16xf32>,
      %swap3A_300 = vector.shape_cast %swap3A_299 : vector<16xf32> to vector<16xf32>
      %swap3A_301 = vector.shape_cast %broadcast_in_dim3A_297 : vector<16xf32> to vector<16xf32>
      tpu.vector_store %arg9[%swap3A_298], %swap3A_301 {strides = array<i32>} : memref<2048xf32, #tpu.memory_space<vmem>>, vector<16xf32>,
      %broadcast_in_dim3A_302 = arith.constant 0.000000e+00 : f32
      %broadcast_in_dim3A_303 = vector.broadcast %broadcast_in_dim3A_302 : f32 to vector<16xf32>
      %swap3A_304 = arith.constant 640 : index
      %swap3A_305 = tpu.vector_load %arg9[%swap3A_304] {strides = array<i32>} : memref<2048xf32, #tpu.memory_space<vmem>>, vector<16xf32>,
      %swap3A_306 = vector.shape_cast %swap3A_305 : vector<16xf32> to vector<16xf32>
      %swap3A_307 = vector.shape_cast %broadcast_in_dim3A_303 : vector<16xf32> to vector<16xf32>
      tpu.vector_store %arg9[%swap3A_304], %swap3A_307 {strides = array<i32>} : memref<2048xf32, #tpu.memory_space<vmem>>, vector<16xf32>,
      %broadcast_in_dim3A_308 = arith.constant 0.000000e+00 : f32
      %broadcast_in_dim3A_309 = vector.broadcast %broadcast_in_dim3A_308 : f32 to vector<16xf32>
      %swap3A_310 = arith.constant 656 : index
      %swap3A_311 = tpu.vector_load %arg9[%swap3A_310] {strides = array<i32>} : memref<2048xf32, #tpu.memory_space<vmem>>, vector<16xf32>,
      %swap3A_312 = vector.shape_cast %swap3A_311 : vector<16xf32> to vector<16xf32>
      %swap3A_313 = vector.shape_cast %broadcast_in_dim3A_309 : vector<16xf32> to vector<16xf32>
      tpu.vector_store %arg9[%swap3A_310], %swap3A_313 {strides = array<i32>} : memref<2048xf32, #tpu.memory_space<vmem>>, vector<16xf32>,
      %broadcast_in_dim3A_314 = arith.constant 0.000000e+00 : f32
      %broadcast_in_dim3A_315 = vector.broadcast %broadcast_in_dim3A_314 : f32 to vector<16xf32>
      %swap3A_316 = arith.constant 672 : index
      %swap3A_317 = tpu.vector_load %arg9[%swap3A_316] {strides = array<i32>} : memref<2048xf32, #tpu.memory_space<vmem>>, vector<16xf32>,
      %swap3A_318 = vector.shape_cast %swap3A_317 : vector<16xf32> to vector<16xf32>
      %swap3A_319 = vector.shape_cast %broadcast_in_dim3A_315 : vector<16xf32> to vector<16xf32>
      tpu.vector_store %arg9[%swap3A_316], %swap3A_319 {strides = array<i32>} : memref<2048xf32, #tpu.memory_space<vmem>>, vector<16xf32>,
      %broadcast_in_dim3A_320 = arith.constant 0.000000e+00 : f32
      %broadcast_in_dim3A_321 = vector.broadcast %broadcast_in_dim3A_320 : f32 to vector<16xf32>
      %swap3A_322 = arith.constant 688 : index
      %swap3A_323 = tpu.vector_load %arg9[%swap3A_322] {strides = array<i32>} : memref<2048xf32, #tpu.memory_space<vmem>>, vector<16xf32>,
      %swap3A_324 = vector.shape_cast %swap3A_323 : vector<16xf32> to vector<16xf32>
      %swap3A_325 = vector.shape_cast %broadcast_in_dim3A_321 : vector<16xf32> to vector<16xf32>
      tpu.vector_store %arg9[%swap3A_322], %swap3A_325 {strides = array<i32>} : memref<2048xf32, #tpu.memory_space<vmem>>, vector<16xf32>,
      %broadcast_in_dim3A_326 = arith.constant 0.000000e+00 : f32
      %broadcast_in_dim3A_327 = vector.broadcast %broadcast_in_dim3A_326 : f32 to vector<16xf32>
      %swap3A_328 = arith.constant 704 : index
      %swap3A_329 = tpu.vector_load %arg9[%swap3A_328] {strides = array<i32>} : memref<2048xf32, #tpu.memory_space<vmem>>, vector<16xf32>,
      %swap3A_330 = vector.shape_cast %swap3A_329 : vector<16xf32> to vector<16xf32>
      %swap3A_331 = vector.shape_cast %broadcast_in_dim3A_327 : vector<16xf32> to vector<16xf32>
      tpu.vector_store %arg9[%swap3A_328], %swap3A_331 {strides = array<i32>} : memref<2048xf32, #tpu.memory_space<vmem>>, vector<16xf32>,
      %broadcast_in_dim3A_332 = arith.constant 0.000000e+00 : f32
      %broadcast_in_dim3A_333 = vector.broadcast %broadcast_in_dim3A_332 : f32 to vector<16xf32>
      %swap3A_334 = arith.constant 720 : index
      %swap3A_335 = tpu.vector_load %arg9[%swap3A_334] {strides = array<i32>} : memref<2048xf32, #tpu.memory_space<vmem>>, vector<16xf32>,
      %swap3A_336 = vector.shape_cast %swap3A_335 : vector<16xf32> to vector<16xf32>
      %swap3A_337 = vector.shape_cast %broadcast_in_dim3A_333 : vector<16xf32> to vector<16xf32>
      tpu.vector_store %arg9[%swap3A_334], %swap3A_337 {strides = array<i32>} : memref<2048xf32, #tpu.memory_space<vmem>>, vector<16xf32>,
      %broadcast_in_dim3A_338 = arith.constant 0.000000e+00 : f32
      %broadcast_in_dim3A_339 = vector.broadcast %broadcast_in_dim3A_338 : f32 to vector<16xf32>
      %swap3A_340 = arith.constant 736 : index
      %swap3A_341 = tpu.vector_load %arg9[%swap3A_340] {strides = array<i32>} : memref<2048xf32, #tpu.memory_space<vmem>>, vector<16xf32>,
      %swap3A_342 = vector.shape_cast %swap3A_341 : vector<16xf32> to vector<16xf32>
      %swap3A_343 = vector.shape_cast %broadcast_in_dim3A_339 : vector<16xf32> to vector<16xf32>
      tpu.vector_store %arg9[%swap3A_340], %swap3A_343 {strides = array<i32>} : memref<2048xf32, #tpu.memory_space<vmem>>, vector<16xf32>,
      %broadcast_in_dim3A_344 = arith.constant 0.000000e+00 : f32
      %broadcast_in_dim3A_345 = vector.broadcast %broadcast_in_dim3A_344 : f32 to vector<16xf32>
      %swap3A_346 = arith.constant 752 : index
      %swap3A_347 = tpu.vector_load %arg9[%swap3A_346] {strides = array<i32>} : memref<2048xf32, #tpu.memory_space<vmem>>, vector<16xf32>,
      %swap3A_348 = vector.shape_cast %swap3A_347 : vector<16xf32> to vector<16xf32>
      %swap3A_349 = vector.shape_cast %broadcast_in_dim3A_345 : vector<16xf32> to vector<16xf32>
      tpu.vector_store %arg9[%swap3A_346], %swap3A_349 {strides = array<i32>} : memref<2048xf32, #tpu.memory_space<vmem>>, vector<16xf32>,
      %broadcast_in_dim3A_350 = arith.constant 0.000000e+00 : f32
      %broadcast_in_dim3A_351 = vector.broadcast %broadcast_in_dim3A_350 : f32 to vector<16xf32>
      %swap3A_352 = arith.constant 768 : index
      %swap3A_353 = tpu.vector_load %arg9[%swap3A_352] {strides = array<i32>} : memref<2048xf32, #tpu.memory_space<vmem>>, vector<16xf32>,
      %swap3A_354 = vector.shape_cast %swap3A_353 : vector<16xf32> to vector<16xf32>
      %swap3A_355 = vector.shape_cast %broadcast_in_dim3A_351 : vector<16xf32> to vector<16xf32>
      tpu.vector_store %arg9[%swap3A_352], %swap3A_355 {strides = array<i32>} : memref<2048xf32, #tpu.memory_space<vmem>>, vector<16xf32>,
      %broadcast_in_dim3A_356 = arith.constant 0.000000e+00 : f32
      %broadcast_in_dim3A_357 = vector.broadcast %broadcast_in_dim3A_356 : f32 to vector<16xf32>
      %swap3A_358 = arith.constant 784 : index
      %swap3A_359 = tpu.vector_load %arg9[%swap3A_358] {strides = array<i32>} : memref<2048xf32, #tpu.memory_space<vmem>>, vector<16xf32>,
      %swap3A_360 = vector.shape_cast %swap3A_359 : vector<16xf32> to vector<16xf32>
      %swap3A_361 = vector.shape_cast %broadcast_in_dim3A_357 : vector<16xf32> to vector<16xf32>
      tpu.vector_store %arg9[%swap3A_358], %swap3A_361 {strides = array<i32>} : memref<2048xf32, #tpu.memory_space<vmem>>, vector<16xf32>,
      %broadcast_in_dim3A_362 = arith.constant 0.000000e+00 : f32
      %broadcast_in_dim3A_363 = vector.broadcast %broadcast_in_dim3A_362 : f32 to vector<16xf32>
      %swap3A_364 = arith.constant 800 : index
      %swap3A_365 = tpu.vector_load %arg9[%swap3A_364] {strides = array<i32>} : memref<2048xf32, #tpu.memory_space<vmem>>, vector<16xf32>,
      %swap3A_366 = vector.shape_cast %swap3A_365 : vector<16xf32> to vector<16xf32>
      %swap3A_367 = vector.shape_cast %broadcast_in_dim3A_363 : vector<16xf32> to vector<16xf32>
      tpu.vector_store %arg9[%swap3A_364], %swap3A_367 {strides = array<i32>} : memref<2048xf32, #tpu.memory_space<vmem>>, vector<16xf32>,
      %broadcast_in_dim3A_368 = arith.constant 0.000000e+00 : f32
      %broadcast_in_dim3A_369 = vector.broadcast %broadcast_in_dim3A_368 : f32 to vector<16xf32>
      %swap3A_370 = arith.constant 816 : index
      %swap3A_371 = tpu.vector_load %arg9[%swap3A_370] {strides = array<i32>} : memref<2048xf32, #tpu.memory_space<vmem>>, vector<16xf32>,
      %swap3A_372 = vector.shape_cast %swap3A_371 : vector<16xf32> to vector<16xf32>
      %swap3A_373 = vector.shape_cast %broadcast_in_dim3A_369 : vector<16xf32> to vector<16xf32>
      tpu.vector_store %arg9[%swap3A_370], %swap3A_373 {strides = array<i32>} : memref<2048xf32, #tpu.memory_space<vmem>>, vector<16xf32>,
      %broadcast_in_dim3A_374 = arith.constant 0.000000e+00 : f32
      %broadcast_in_dim3A_375 = vector.broadcast %broadcast_in_dim3A_374 : f32 to vector<16xf32>
      %swap3A_376 = arith.constant 832 : index
      %swap3A_377 = tpu.vector_load %arg9[%swap3A_376] {strides = array<i32>} : memref<2048xf32, #tpu.memory_space<vmem>>, vector<16xf32>,
      %swap3A_378 = vector.shape_cast %swap3A_377 : vector<16xf32> to vector<16xf32>
      %swap3A_379 = vector.shape_cast %broadcast_in_dim3A_375 : vector<16xf32> to vector<16xf32>
      tpu.vector_store %arg9[%swap3A_376], %swap3A_379 {strides = array<i32>} : memref<2048xf32, #tpu.memory_space<vmem>>, vector<16xf32>,
      %broadcast_in_dim3A_380 = arith.constant 0.000000e+00 : f32
      %broadcast_in_dim3A_381 = vector.broadcast %broadcast_in_dim3A_380 : f32 to vector<16xf32>
      %swap3A_382 = arith.constant 848 : index
      %swap3A_383 = tpu.vector_load %arg9[%swap3A_382] {strides = array<i32>} : memref<2048xf32, #tpu.memory_space<vmem>>, vector<16xf32>,
      %swap3A_384 = vector.shape_cast %swap3A_383 : vector<16xf32> to vector<16xf32>
      %swap3A_385 = vector.shape_cast %broadcast_in_dim3A_381 : vector<16xf32> to vector<16xf32>
      tpu.vector_store %arg9[%swap3A_382], %swap3A_385 {strides = array<i32>} : memref<2048xf32, #tpu.memory_space<vmem>>, vector<16xf32>,
      %broadcast_in_dim3A_386 = arith.constant 0.000000e+00 : f32
      %broadcast_in_dim3A_387 = vector.broadcast %broadcast_in_dim3A_386 : f32 to vector<16xf32>
      %swap3A_388 = arith.constant 864 : index
      %swap3A_389 = tpu.vector_load %arg9[%swap3A_388] {strides = array<i32>} : memref<2048xf32, #tpu.memory_space<vmem>>, vector<16xf32>,
      %swap3A_390 = vector.shape_cast %swap3A_389 : vector<16xf32> to vector<16xf32>
      %swap3A_391 = vector.shape_cast %broadcast_in_dim3A_387 : vector<16xf32> to vector<16xf32>
      tpu.vector_store %arg9[%swap3A_388], %swap3A_391 {strides = array<i32>} : memref<2048xf32, #tpu.memory_space<vmem>>, vector<16xf32>,
      %broadcast_in_dim3A_392 = arith.constant 0.000000e+00 : f32
      %broadcast_in_dim3A_393 = vector.broadcast %broadcast_in_dim3A_392 : f32 to vector<16xf32>
      %swap3A_394 = arith.constant 880 : index
      %swap3A_395 = tpu.vector_load %arg9[%swap3A_394] {strides = array<i32>} : memref<2048xf32, #tpu.memory_space<vmem>>, vector<16xf32>,
      %swap3A_396 = vector.shape_cast %swap3A_395 : vector<16xf32> to vector<16xf32>
      %swap3A_397 = vector.shape_cast %broadcast_in_dim3A_393 : vector<16xf32> to vector<16xf32>
      tpu.vector_store %arg9[%swap3A_394], %swap3A_397 {strides = array<i32>} : memref<2048xf32, #tpu.memory_space<vmem>>, vector<16xf32>,
      %broadcast_in_dim3A_398 = arith.constant 0.000000e+00 : f32
      %broadcast_in_dim3A_399 = vector.broadcast %broadcast_in_dim3A_398 : f32 to vector<16xf32>
      %swap3A_400 = arith.constant 896 : index
      %swap3A_401 = tpu.vector_load %arg9[%swap3A_400] {strides = array<i32>} : memref<2048xf32, #tpu.memory_space<vmem>>, vector<16xf32>,
      %swap3A_402 = vector.shape_cast %swap3A_401 : vector<16xf32> to vector<16xf32>
      %swap3A_403 = vector.shape_cast %broadcast_in_dim3A_399 : vector<16xf32> to vector<16xf32>
      tpu.vector_store %arg9[%swap3A_400], %swap3A_403 {strides = array<i32>} : memref<2048xf32, #tpu.memory_space<vmem>>, vector<16xf32>,
      %broadcast_in_dim3A_404 = arith.constant 0.000000e+00 : f32
      %broadcast_in_dim3A_405 = vector.broadcast %broadcast_in_dim3A_404 : f32 to vector<16xf32>
      %swap3A_406 = arith.constant 912 : index
      %swap3A_407 = tpu.vector_load %arg9[%swap3A_406] {strides = array<i32>} : memref<2048xf32, #tpu.memory_space<vmem>>, vector<16xf32>,
      %swap3A_408 = vector.shape_cast %swap3A_407 : vector<16xf32> to vector<16xf32>
      %swap3A_409 = vector.shape_cast %broadcast_in_dim3A_405 : vector<16xf32> to vector<16xf32>
      tpu.vector_store %arg9[%swap3A_406], %swap3A_409 {strides = array<i32>} : memref<2048xf32, #tpu.memory_space<vmem>>, vector<16xf32>,
      %broadcast_in_dim3A_410 = arith.constant 0.000000e+00 : f32
      %broadcast_in_dim3A_411 = vector.broadcast %broadcast_in_dim3A_410 : f32 to vector<16xf32>
      %swap3A_412 = arith.constant 928 : index
      %swap3A_413 = tpu.vector_load %arg9[%swap3A_412] {strides = array<i32>} : memref<2048xf32, #tpu.memory_space<vmem>>, vector<16xf32>,
      %swap3A_414 = vector.shape_cast %swap3A_413 : vector<16xf32> to vector<16xf32>
      %swap3A_415 = vector.shape_cast %broadcast_in_dim3A_411 : vector<16xf32> to vector<16xf32>
      tpu.vector_store %arg9[%swap3A_412], %swap3A_415 {strides = array<i32>} : memref<2048xf32, #tpu.memory_space<vmem>>, vector<16xf32>,
      %broadcast_in_dim3A_416 = arith.constant 0.000000e+00 : f32
      %broadcast_in_dim3A_417 = vector.broadcast %broadcast_in_dim3A_416 : f32 to vector<16xf32>
      %swap3A_418 = arith.constant 944 : index
      %swap3A_419 = tpu.vector_load %arg9[%swap3A_418] {strides = array<i32>} : memref<2048xf32, #tpu.memory_space<vmem>>, vector<16xf32>,
      %swap3A_420 = vector.shape_cast %swap3A_419 : vector<16xf32> to vector<16xf32>
      %swap3A_421 = vector.shape_cast %broadcast_in_dim3A_417 : vector<16xf32> to vector<16xf32>
      tpu.vector_store %arg9[%swap3A_418], %swap3A_421 {strides = array<i32>} : memref<2048xf32, #tpu.memory_space<vmem>>, vector<16xf32>,
      %broadcast_in_dim3A_422 = arith.constant 0.000000e+00 : f32
      %broadcast_in_dim3A_423 = vector.broadcast %broadcast_in_dim3A_422 : f32 to vector<16xf32>
      %swap3A_424 = arith.constant 960 : index
      %swap3A_425 = tpu.vector_load %arg9[%swap3A_424] {strides = array<i32>} : memref<2048xf32, #tpu.memory_space<vmem>>, vector<16xf32>,
      %swap3A_426 = vector.shape_cast %swap3A_425 : vector<16xf32> to vector<16xf32>
      %swap3A_427 = vector.shape_cast %broadcast_in_dim3A_423 : vector<16xf32> to vector<16xf32>
      tpu.vector_store %arg9[%swap3A_424], %swap3A_427 {strides = array<i32>} : memref<2048xf32, #tpu.memory_space<vmem>>, vector<16xf32>,
      %broadcast_in_dim3A_428 = arith.constant 0.000000e+00 : f32
      %broadcast_in_dim3A_429 = vector.broadcast %broadcast_in_dim3A_428 : f32 to vector<16xf32>
      %swap3A_430 = arith.constant 976 : index
      %swap3A_431 = tpu.vector_load %arg9[%swap3A_430] {strides = array<i32>} : memref<2048xf32, #tpu.memory_space<vmem>>, vector<16xf32>,
      %swap3A_432 = vector.shape_cast %swap3A_431 : vector<16xf32> to vector<16xf32>
      %swap3A_433 = vector.shape_cast %broadcast_in_dim3A_429 : vector<16xf32> to vector<16xf32>
      tpu.vector_store %arg9[%swap3A_430], %swap3A_433 {strides = array<i32>} : memref<2048xf32, #tpu.memory_space<vmem>>, vector<16xf32>,
      %broadcast_in_dim3A_434 = arith.constant 0.000000e+00 : f32
      %broadcast_in_dim3A_435 = vector.broadcast %broadcast_in_dim3A_434 : f32 to vector<16xf32>
      %swap3A_436 = arith.constant 992 : index
      %swap3A_437 = tpu.vector_load %arg9[%swap3A_436] {strides = array<i32>} : memref<2048xf32, #tpu.memory_space<vmem>>, vector<16xf32>,
      %swap3A_438 = vector.shape_cast %swap3A_437 : vector<16xf32> to vector<16xf32>
      %swap3A_439 = vector.shape_cast %broadcast_in_dim3A_435 : vector<16xf32> to vector<16xf32>
      tpu.vector_store %arg9[%swap3A_436], %swap3A_439 {strides = array<i32>} : memref<2048xf32, #tpu.memory_space<vmem>>, vector<16xf32>,
      %broadcast_in_dim3A_440 = arith.constant 0.000000e+00 : f32
      %broadcast_in_dim3A_441 = vector.broadcast %broadcast_in_dim3A_440 : f32 to vector<16xf32>
      %swap3A_442 = arith.constant 1008 : index
      %swap3A_443 = tpu.vector_load %arg9[%swap3A_442] {strides = array<i32>} : memref<2048xf32, #tpu.memory_space<vmem>>, vector<16xf32>,
      %swap3A_444 = vector.shape_cast %swap3A_443 : vector<16xf32> to vector<16xf32>
      %swap3A_445 = vector.shape_cast %broadcast_in_dim3A_441 : vector<16xf32> to vector<16xf32>
      tpu.vector_store %arg9[%swap3A_442], %swap3A_445 {strides = array<i32>} : memref<2048xf32, #tpu.memory_space<vmem>>, vector<16xf32>,
      %broadcast_in_dim3A_446 = arith.constant 0.000000e+00 : f32
      %broadcast_in_dim3A_447 = vector.broadcast %broadcast_in_dim3A_446 : f32 to vector<16xf32>
      %swap3A_448 = arith.constant 1024 : index
      %swap3A_449 = tpu.vector_load %arg9[%swap3A_448] {strides = array<i32>} : memref<2048xf32, #tpu.memory_space<vmem>>, vector<16xf32>,
      %swap3A_450 = vector.shape_cast %swap3A_449 : vector<16xf32> to vector<16xf32>
      %swap3A_451 = vector.shape_cast %broadcast_in_dim3A_447 : vector<16xf32> to vector<16xf32>
      tpu.vector_store %arg9[%swap3A_448], %swap3A_451 {strides = array<i32>} : memref<2048xf32, #tpu.memory_space<vmem>>, vector<16xf32>,
      %broadcast_in_dim3A_452 = arith.constant 0.000000e+00 : f32
      %broadcast_in_dim3A_453 = vector.broadcast %broadcast_in_dim3A_452 : f32 to vector<16xf32>
      %swap3A_454 = arith.constant 1040 : index
      %swap3A_455 = tpu.vector_load %arg9[%swap3A_454] {strides = array<i32>} : memref<2048xf32, #tpu.memory_space<vmem>>, vector<16xf32>,
      %swap3A_456 = vector.shape_cast %swap3A_455 : vector<16xf32> to vector<16xf32>
      %swap3A_457 = vector.shape_cast %broadcast_in_dim3A_453 : vector<16xf32> to vector<16xf32>
      tpu.vector_store %arg9[%swap3A_454], %swap3A_457 {strides = array<i32>} : memref<2048xf32, #tpu.memory_space<vmem>>, vector<16xf32>,
      %broadcast_in_dim3A_458 = arith.constant 0.000000e+00 : f32
      %broadcast_in_dim3A_459 = vector.broadcast %broadcast_in_dim3A_458 : f32 to vector<16xf32>
      %swap3A_460 = arith.constant 1056 : index
      %swap3A_461 = tpu.vector_load %arg9[%swap3A_460] {strides = array<i32>} : memref<2048xf32, #tpu.memory_space<vmem>>, vector<16xf32>,
      %swap3A_462 = vector.shape_cast %swap3A_461 : vector<16xf32> to vector<16xf32>
      %swap3A_463 = vector.shape_cast %broadcast_in_dim3A_459 : vector<16xf32> to vector<16xf32>
      tpu.vector_store %arg9[%swap3A_460], %swap3A_463 {strides = array<i32>} : memref<2048xf32, #tpu.memory_space<vmem>>, vector<16xf32>,
      %broadcast_in_dim3A_464 = arith.constant 0.000000e+00 : f32
      %broadcast_in_dim3A_465 = vector.broadcast %broadcast_in_dim3A_464 : f32 to vector<16xf32>
      %swap3A_466 = arith.constant 1072 : index
      %swap3A_467 = tpu.vector_load %arg9[%swap3A_466] {strides = array<i32>} : memref<2048xf32, #tpu.memory_space<vmem>>, vector<16xf32>,
      %swap3A_468 = vector.shape_cast %swap3A_467 : vector<16xf32> to vector<16xf32>
      %swap3A_469 = vector.shape_cast %broadcast_in_dim3A_465 : vector<16xf32> to vector<16xf32>
      tpu.vector_store %arg9[%swap3A_466], %swap3A_469 {strides = array<i32>} : memref<2048xf32, #tpu.memory_space<vmem>>, vector<16xf32>,
      %broadcast_in_dim3A_470 = arith.constant 0.000000e+00 : f32
      %broadcast_in_dim3A_471 = vector.broadcast %broadcast_in_dim3A_470 : f32 to vector<16xf32>
      %swap3A_472 = arith.constant 1088 : index
      %swap3A_473 = tpu.vector_load %arg9[%swap3A_472] {strides = array<i32>} : memref<2048xf32, #tpu.memory_space<vmem>>, vector<16xf32>,
      %swap3A_474 = vector.shape_cast %swap3A_473 : vector<16xf32> to vector<16xf32>
      %swap3A_475 = vector.shape_cast %broadcast_in_dim3A_471 : vector<16xf32> to vector<16xf32>
      tpu.vector_store %arg9[%swap3A_472], %swap3A_475 {strides = array<i32>} : memref<2048xf32, #tpu.memory_space<vmem>>, vector<16xf32>,
      %broadcast_in_dim3A_476 = arith.constant 0.000000e+00 : f32
      %broadcast_in_dim3A_477 = vector.broadcast %broadcast_in_dim3A_476 : f32 to vector<16xf32>
      %swap3A_478 = arith.constant 1104 : index
      %swap3A_479 = tpu.vector_load %arg9[%swap3A_478] {strides = array<i32>} : memref<2048xf32, #tpu.memory_space<vmem>>, vector<16xf32>,
      %swap3A_480 = vector.shape_cast %swap3A_479 : vector<16xf32> to vector<16xf32>
      %swap3A_481 = vector.shape_cast %broadcast_in_dim3A_477 : vector<16xf32> to vector<16xf32>
      tpu.vector_store %arg9[%swap3A_478], %swap3A_481 {strides = array<i32>} : memref<2048xf32, #tpu.memory_space<vmem>>, vector<16xf32>,
      %broadcast_in_dim3A_482 = arith.constant 0.000000e+00 : f32
      %broadcast_in_dim3A_483 = vector.broadcast %broadcast_in_dim3A_482 : f32 to vector<16xf32>
      %swap3A_484 = arith.constant 1120 : index
      %swap3A_485 = tpu.vector_load %arg9[%swap3A_484] {strides = array<i32>} : memref<2048xf32, #tpu.memory_space<vmem>>, vector<16xf32>,
      %swap3A_486 = vector.shape_cast %swap3A_485 : vector<16xf32> to vector<16xf32>
      %swap3A_487 = vector.shape_cast %broadcast_in_dim3A_483 : vector<16xf32> to vector<16xf32>
      tpu.vector_store %arg9[%swap3A_484], %swap3A_487 {strides = array<i32>} : memref<2048xf32, #tpu.memory_space<vmem>>, vector<16xf32>,
      %broadcast_in_dim3A_488 = arith.constant 0.000000e+00 : f32
      %broadcast_in_dim3A_489 = vector.broadcast %broadcast_in_dim3A_488 : f32 to vector<16xf32>
      %swap3A_490 = arith.constant 1136 : index
      %swap3A_491 = tpu.vector_load %arg9[%swap3A_490] {strides = array<i32>} : memref<2048xf32, #tpu.memory_space<vmem>>, vector<16xf32>,
      %swap3A_492 = vector.shape_cast %swap3A_491 : vector<16xf32> to vector<16xf32>
      %swap3A_493 = vector.shape_cast %broadcast_in_dim3A_489 : vector<16xf32> to vector<16xf32>
      tpu.vector_store %arg9[%swap3A_490], %swap3A_493 {strides = array<i32>} : memref<2048xf32, #tpu.memory_space<vmem>>, vector<16xf32>,
      %broadcast_in_dim3A_494 = arith.constant 0.000000e+00 : f32
      %broadcast_in_dim3A_495 = vector.broadcast %broadcast_in_dim3A_494 : f32 to vector<16xf32>
      %swap3A_496 = arith.constant 1152 : index
      %swap3A_497 = tpu.vector_load %arg9[%swap3A_496] {strides = array<i32>} : memref<2048xf32, #tpu.memory_space<vmem>>, vector<16xf32>,
      %swap3A_498 = vector.shape_cast %swap3A_497 : vector<16xf32> to vector<16xf32>
      %swap3A_499 = vector.shape_cast %broadcast_in_dim3A_495 : vector<16xf32> to vector<16xf32>
      tpu.vector_store %arg9[%swap3A_496], %swap3A_499 {strides = array<i32>} : memref<2048xf32, #tpu.memory_space<vmem>>, vector<16xf32>,
      %broadcast_in_dim3A_500 = arith.constant 0.000000e+00 : f32
      %broadcast_in_dim3A_501 = vector.broadcast %broadcast_in_dim3A_500 : f32 to vector<16xf32>
      %swap3A_502 = arith.constant 1168 : index
      %swap3A_503 = tpu.vector_load %arg9[%swap3A_502] {strides = array<i32>} : memref<2048xf32, #tpu.memory_space<vmem>>, vector<16xf32>,
      %swap3A_504 = vector.shape_cast %swap3A_503 : vector<16xf32> to vector<16xf32>
      %swap3A_505 = vector.shape_cast %broadcast_in_dim3A_501 : vector<16xf32> to vector<16xf32>
      tpu.vector_store %arg9[%swap3A_502], %swap3A_505 {strides = array<i32>} : memref<2048xf32, #tpu.memory_space<vmem>>, vector<16xf32>,
      %broadcast_in_dim3A_506 = arith.constant 0.000000e+00 : f32
      %broadcast_in_dim3A_507 = vector.broadcast %broadcast_in_dim3A_506 : f32 to vector<16xf32>
      %swap3A_508 = arith.constant 1184 : index
      %swap3A_509 = tpu.vector_load %arg9[%swap3A_508] {strides = array<i32>} : memref<2048xf32, #tpu.memory_space<vmem>>, vector<16xf32>,
      %swap3A_510 = vector.shape_cast %swap3A_509 : vector<16xf32> to vector<16xf32>
      %swap3A_511 = vector.shape_cast %broadcast_in_dim3A_507 : vector<16xf32> to vector<16xf32>
      tpu.vector_store %arg9[%swap3A_508], %swap3A_511 {strides = array<i32>} : memref<2048xf32, #tpu.memory_space<vmem>>, vector<16xf32>,
      %broadcast_in_dim3A_512 = arith.constant 0.000000e+00 : f32
      %broadcast_in_dim3A_513 = vector.broadcast %broadcast_in_dim3A_512 : f32 to vector<16xf32>
      %swap3A_514 = arith.constant 1200 : index
      %swap3A_515 = tpu.vector_load %arg9[%swap3A_514] {strides = array<i32>} : memref<2048xf32, #tpu.memory_space<vmem>>, vector<16xf32>,
      %swap3A_516 = vector.shape_cast %swap3A_515 : vector<16xf32> to vector<16xf32>
      %swap3A_517 = vector.shape_cast %broadcast_in_dim3A_513 : vector<16xf32> to vector<16xf32>
      tpu.vector_store %arg9[%swap3A_514], %swap3A_517 {strides = array<i32>} : memref<2048xf32, #tpu.memory_space<vmem>>, vector<16xf32>,
      %broadcast_in_dim3A_518 = arith.constant 0.000000e+00 : f32
      %broadcast_in_dim3A_519 = vector.broadcast %broadcast_in_dim3A_518 : f32 to vector<16xf32>
      %swap3A_520 = arith.constant 1216 : index
      %swap3A_521 = tpu.vector_load %arg9[%swap3A_520] {strides = array<i32>} : memref<2048xf32, #tpu.memory_space<vmem>>, vector<16xf32>,
      %swap3A_522 = vector.shape_cast %swap3A_521 : vector<16xf32> to vector<16xf32>
      %swap3A_523 = vector.shape_cast %broadcast_in_dim3A_519 : vector<16xf32> to vector<16xf32>
      tpu.vector_store %arg9[%swap3A_520], %swap3A_523 {strides = array<i32>} : memref<2048xf32, #tpu.memory_space<vmem>>, vector<16xf32>,
      %broadcast_in_dim3A_524 = arith.constant 0.000000e+00 : f32
      %broadcast_in_dim3A_525 = vector.broadcast %broadcast_in_dim3A_524 : f32 to vector<16xf32>
      %swap3A_526 = arith.constant 1232 : index
      %swap3A_527 = tpu.vector_load %arg9[%swap3A_526] {strides = array<i32>} : memref<2048xf32, #tpu.memory_space<vmem>>, vector<16xf32>,
      %swap3A_528 = vector.shape_cast %swap3A_527 : vector<16xf32> to vector<16xf32>
      %swap3A_529 = vector.shape_cast %broadcast_in_dim3A_525 : vector<16xf32> to vector<16xf32>
      tpu.vector_store %arg9[%swap3A_526], %swap3A_529 {strides = array<i32>} : memref<2048xf32, #tpu.memory_space<vmem>>, vector<16xf32>,
      %broadcast_in_dim3A_530 = arith.constant 0.000000e+00 : f32
      %broadcast_in_dim3A_531 = vector.broadcast %broadcast_in_dim3A_530 : f32 to vector<16xf32>
      %swap3A_532 = arith.constant 1248 : index
      %swap3A_533 = tpu.vector_load %arg9[%swap3A_532] {strides = array<i32>} : memref<2048xf32, #tpu.memory_space<vmem>>, vector<16xf32>,
      %swap3A_534 = vector.shape_cast %swap3A_533 : vector<16xf32> to vector<16xf32>
      %swap3A_535 = vector.shape_cast %broadcast_in_dim3A_531 : vector<16xf32> to vector<16xf32>
      tpu.vector_store %arg9[%swap3A_532], %swap3A_535 {strides = array<i32>} : memref<2048xf32, #tpu.memory_space<vmem>>, vector<16xf32>,
      %broadcast_in_dim3A_536 = arith.constant 0.000000e+00 : f32
      %broadcast_in_dim3A_537 = vector.broadcast %broadcast_in_dim3A_536 : f32 to vector<16xf32>
      %swap3A_538 = arith.constant 1264 : index
      %swap3A_539 = tpu.vector_load %arg9[%swap3A_538] {strides = array<i32>} : memref<2048xf32, #tpu.memory_space<vmem>>, vector<16xf32>,
      %swap3A_540 = vector.shape_cast %swap3A_539 : vector<16xf32> to vector<16xf32>
      %swap3A_541 = vector.shape_cast %broadcast_in_dim3A_537 : vector<16xf32> to vector<16xf32>
      tpu.vector_store %arg9[%swap3A_538], %swap3A_541 {strides = array<i32>} : memref<2048xf32, #tpu.memory_space<vmem>>, vector<16xf32>,
      %broadcast_in_dim3A_542 = arith.constant 0.000000e+00 : f32
      %broadcast_in_dim3A_543 = vector.broadcast %broadcast_in_dim3A_542 : f32 to vector<16xf32>
      %swap3A_544 = arith.constant 1280 : index
      %swap3A_545 = tpu.vector_load %arg9[%swap3A_544] {strides = array<i32>} : memref<2048xf32, #tpu.memory_space<vmem>>, vector<16xf32>,
      %swap3A_546 = vector.shape_cast %swap3A_545 : vector<16xf32> to vector<16xf32>
      %swap3A_547 = vector.shape_cast %broadcast_in_dim3A_543 : vector<16xf32> to vector<16xf32>
      tpu.vector_store %arg9[%swap3A_544], %swap3A_547 {strides = array<i32>} : memref<2048xf32, #tpu.memory_space<vmem>>, vector<16xf32>,
      %broadcast_in_dim3A_548 = arith.constant 0.000000e+00 : f32
      %broadcast_in_dim3A_549 = vector.broadcast %broadcast_in_dim3A_548 : f32 to vector<16xf32>
      %swap3A_550 = arith.constant 1296 : index
      %swap3A_551 = tpu.vector_load %arg9[%swap3A_550] {strides = array<i32>} : memref<2048xf32, #tpu.memory_space<vmem>>, vector<16xf32>,
      %swap3A_552 = vector.shape_cast %swap3A_551 : vector<16xf32> to vector<16xf32>
      %swap3A_553 = vector.shape_cast %broadcast_in_dim3A_549 : vector<16xf32> to vector<16xf32>
      tpu.vector_store %arg9[%swap3A_550], %swap3A_553 {strides = array<i32>} : memref<2048xf32, #tpu.memory_space<vmem>>, vector<16xf32>,
      %broadcast_in_dim3A_554 = arith.constant 0.000000e+00 : f32
      %broadcast_in_dim3A_555 = vector.broadcast %broadcast_in_dim3A_554 : f32 to vector<16xf32>
      %swap3A_556 = arith.constant 1312 : index
      %swap3A_557 = tpu.vector_load %arg9[%swap3A_556] {strides = array<i32>} : memref<2048xf32, #tpu.memory_space<vmem>>, vector<16xf32>,
      %swap3A_558 = vector.shape_cast %swap3A_557 : vector<16xf32> to vector<16xf32>
      %swap3A_559 = vector.shape_cast %broadcast_in_dim3A_555 : vector<16xf32> to vector<16xf32>
      tpu.vector_store %arg9[%swap3A_556], %swap3A_559 {strides = array<i32>} : memref<2048xf32, #tpu.memory_space<vmem>>, vector<16xf32>,
      %broadcast_in_dim3A_560 = arith.constant 0.000000e+00 : f32
      %broadcast_in_dim3A_561 = vector.broadcast %broadcast_in_dim3A_560 : f32 to vector<16xf32>
      %swap3A_562 = arith.constant 1328 : index
      %swap3A_563 = tpu.vector_load %arg9[%swap3A_562] {strides = array<i32>} : memref<2048xf32, #tpu.memory_space<vmem>>, vector<16xf32>,
      %swap3A_564 = vector.shape_cast %swap3A_563 : vector<16xf32> to vector<16xf32>
      %swap3A_565 = vector.shape_cast %broadcast_in_dim3A_561 : vector<16xf32> to vector<16xf32>
      tpu.vector_store %arg9[%swap3A_562], %swap3A_565 {strides = array<i32>} : memref<2048xf32, #tpu.memory_space<vmem>>, vector<16xf32>,
      %broadcast_in_dim3A_566 = arith.constant 0.000000e+00 : f32
      %broadcast_in_dim3A_567 = vector.broadcast %broadcast_in_dim3A_566 : f32 to vector<16xf32>
      %swap3A_568 = arith.constant 1344 : index
      %swap3A_569 = tpu.vector_load %arg9[%swap3A_568] {strides = array<i32>} : memref<2048xf32, #tpu.memory_space<vmem>>, vector<16xf32>,
      %swap3A_570 = vector.shape_cast %swap3A_569 : vector<16xf32> to vector<16xf32>
      %swap3A_571 = vector.shape_cast %broadcast_in_dim3A_567 : vector<16xf32> to vector<16xf32>
      tpu.vector_store %arg9[%swap3A_568], %swap3A_571 {strides = array<i32>} : memref<2048xf32, #tpu.memory_space<vmem>>, vector<16xf32>,
      %broadcast_in_dim3A_572 = arith.constant 0.000000e+00 : f32
      %broadcast_in_dim3A_573 = vector.broadcast %broadcast_in_dim3A_572 : f32 to vector<16xf32>
      %swap3A_574 = arith.constant 1360 : index
      %swap3A_575 = tpu.vector_load %arg9[%swap3A_574] {strides = array<i32>} : memref<2048xf32, #tpu.memory_space<vmem>>, vector<16xf32>,
      %swap3A_576 = vector.shape_cast %swap3A_575 : vector<16xf32> to vector<16xf32>
      %swap3A_577 = vector.shape_cast %broadcast_in_dim3A_573 : vector<16xf32> to vector<16xf32>
      tpu.vector_store %arg9[%swap3A_574], %swap3A_577 {strides = array<i32>} : memref<2048xf32, #tpu.memory_space<vmem>>, vector<16xf32>,
      %broadcast_in_dim3A_578 = arith.constant 0.000000e+00 : f32
      %broadcast_in_dim3A_579 = vector.broadcast %broadcast_in_dim3A_578 : f32 to vector<16xf32>
      %swap3A_580 = arith.constant 1376 : index
      %swap3A_581 = tpu.vector_load %arg9[%swap3A_580] {strides = array<i32>} : memref<2048xf32, #tpu.memory_space<vmem>>, vector<16xf32>,
      %swap3A_582 = vector.shape_cast %swap3A_581 : vector<16xf32> to vector<16xf32>
      %swap3A_583 = vector.shape_cast %broadcast_in_dim3A_579 : vector<16xf32> to vector<16xf32>
      tpu.vector_store %arg9[%swap3A_580], %swap3A_583 {strides = array<i32>} : memref<2048xf32, #tpu.memory_space<vmem>>, vector<16xf32>,
      %broadcast_in_dim3A_584 = arith.constant 0.000000e+00 : f32
      %broadcast_in_dim3A_585 = vector.broadcast %broadcast_in_dim3A_584 : f32 to vector<16xf32>
      %swap3A_586 = arith.constant 1392 : index
      %swap3A_587 = tpu.vector_load %arg9[%swap3A_586] {strides = array<i32>} : memref<2048xf32, #tpu.memory_space<vmem>>, vector<16xf32>,
      %swap3A_588 = vector.shape_cast %swap3A_587 : vector<16xf32> to vector<16xf32>
      %swap3A_589 = vector.shape_cast %broadcast_in_dim3A_585 : vector<16xf32> to vector<16xf32>
      tpu.vector_store %arg9[%swap3A_586], %swap3A_589 {strides = array<i32>} : memref<2048xf32, #tpu.memory_space<vmem>>, vector<16xf32>,
      %broadcast_in_dim3A_590 = arith.constant 0.000000e+00 : f32
      %broadcast_in_dim3A_591 = vector.broadcast %broadcast_in_dim3A_590 : f32 to vector<16xf32>
      %swap3A_592 = arith.constant 1408 : index
      %swap3A_593 = tpu.vector_load %arg9[%swap3A_592] {strides = array<i32>} : memref<2048xf32, #tpu.memory_space<vmem>>, vector<16xf32>,
      %swap3A_594 = vector.shape_cast %swap3A_593 : vector<16xf32> to vector<16xf32>
      %swap3A_595 = vector.shape_cast %broadcast_in_dim3A_591 : vector<16xf32> to vector<16xf32>
      tpu.vector_store %arg9[%swap3A_592], %swap3A_595 {strides = array<i32>} : memref<2048xf32, #tpu.memory_space<vmem>>, vector<16xf32>,
      %broadcast_in_dim3A_596 = arith.constant 0.000000e+00 : f32
      %broadcast_in_dim3A_597 = vector.broadcast %broadcast_in_dim3A_596 : f32 to vector<16xf32>
      %swap3A_598 = arith.constant 1424 : index
      %swap3A_599 = tpu.vector_load %arg9[%swap3A_598] {strides = array<i32>} : memref<2048xf32, #tpu.memory_space<vmem>>, vector<16xf32>,
      %swap3A_600 = vector.shape_cast %swap3A_599 : vector<16xf32> to vector<16xf32>
      %swap3A_601 = vector.shape_cast %broadcast_in_dim3A_597 : vector<16xf32> to vector<16xf32>
      tpu.vector_store %arg9[%swap3A_598], %swap3A_601 {strides = array<i32>} : memref<2048xf32, #tpu.memory_space<vmem>>, vector<16xf32>,
      %broadcast_in_dim3A_602 = arith.constant 0.000000e+00 : f32
      %broadcast_in_dim3A_603 = vector.broadcast %broadcast_in_dim3A_602 : f32 to vector<16xf32>
      %swap3A_604 = arith.constant 1440 : index
      %swap3A_605 = tpu.vector_load %arg9[%swap3A_604] {strides = array<i32>} : memref<2048xf32, #tpu.memory_space<vmem>>, vector<16xf32>,
      %swap3A_606 = vector.shape_cast %swap3A_605 : vector<16xf32> to vector<16xf32>
      %swap3A_607 = vector.shape_cast %broadcast_in_dim3A_603 : vector<16xf32> to vector<16xf32>
      tpu.vector_store %arg9[%swap3A_604], %swap3A_607 {strides = array<i32>} : memref<2048xf32, #tpu.memory_space<vmem>>, vector<16xf32>,
      %broadcast_in_dim3A_608 = arith.constant 0.000000e+00 : f32
      %broadcast_in_dim3A_609 = vector.broadcast %broadcast_in_dim3A_608 : f32 to vector<16xf32>
      %swap3A_610 = arith.constant 1456 : index
      %swap3A_611 = tpu.vector_load %arg9[%swap3A_610] {strides = array<i32>} : memref<2048xf32, #tpu.memory_space<vmem>>, vector<16xf32>,
      %swap3A_612 = vector.shape_cast %swap3A_611 : vector<16xf32> to vector<16xf32>
      %swap3A_613 = vector.shape_cast %broadcast_in_dim3A_609 : vector<16xf32> to vector<16xf32>
      tpu.vector_store %arg9[%swap3A_610], %swap3A_613 {strides = array<i32>} : memref<2048xf32, #tpu.memory_space<vmem>>, vector<16xf32>,
      %broadcast_in_dim3A_614 = arith.constant 0.000000e+00 : f32
      %broadcast_in_dim3A_615 = vector.broadcast %broadcast_in_dim3A_614 : f32 to vector<16xf32>
      %swap3A_616 = arith.constant 1472 : index
      %swap3A_617 = tpu.vector_load %arg9[%swap3A_616] {strides = array<i32>} : memref<2048xf32, #tpu.memory_space<vmem>>, vector<16xf32>,
      %swap3A_618 = vector.shape_cast %swap3A_617 : vector<16xf32> to vector<16xf32>
      %swap3A_619 = vector.shape_cast %broadcast_in_dim3A_615 : vector<16xf32> to vector<16xf32>
      tpu.vector_store %arg9[%swap3A_616], %swap3A_619 {strides = array<i32>} : memref<2048xf32, #tpu.memory_space<vmem>>, vector<16xf32>,
      %broadcast_in_dim3A_620 = arith.constant 0.000000e+00 : f32
      %broadcast_in_dim3A_621 = vector.broadcast %broadcast_in_dim3A_620 : f32 to vector<16xf32>
      %swap3A_622 = arith.constant 1488 : index
      %swap3A_623 = tpu.vector_load %arg9[%swap3A_622] {strides = array<i32>} : memref<2048xf32, #tpu.memory_space<vmem>>, vector<16xf32>,
      %swap3A_624 = vector.shape_cast %swap3A_623 : vector<16xf32> to vector<16xf32>
      %swap3A_625 = vector.shape_cast %broadcast_in_dim3A_621 : vector<16xf32> to vector<16xf32>
      tpu.vector_store %arg9[%swap3A_622], %swap3A_625 {strides = array<i32>} : memref<2048xf32, #tpu.memory_space<vmem>>, vector<16xf32>,
      %broadcast_in_dim3A_626 = arith.constant 0.000000e+00 : f32
      %broadcast_in_dim3A_627 = vector.broadcast %broadcast_in_dim3A_626 : f32 to vector<16xf32>
      %swap3A_628 = arith.constant 1504 : index
      %swap3A_629 = tpu.vector_load %arg9[%swap3A_628] {strides = array<i32>} : memref<2048xf32, #tpu.memory_space<vmem>>, vector<16xf32>,
      %swap3A_630 = vector.shape_cast %swap3A_629 : vector<16xf32> to vector<16xf32>
      %swap3A_631 = vector.shape_cast %broadcast_in_dim3A_627 : vector<16xf32> to vector<16xf32>
      tpu.vector_store %arg9[%swap3A_628], %swap3A_631 {strides = array<i32>} : memref<2048xf32, #tpu.memory_space<vmem>>, vector<16xf32>,
      %broadcast_in_dim3A_632 = arith.constant 0.000000e+00 : f32
      %broadcast_in_dim3A_633 = vector.broadcast %broadcast_in_dim3A_632 : f32 to vector<16xf32>
      %swap3A_634 = arith.constant 1520 : index
      %swap3A_635 = tpu.vector_load %arg9[%swap3A_634] {strides = array<i32>} : memref<2048xf32, #tpu.memory_space<vmem>>, vector<16xf32>,
      %swap3A_636 = vector.shape_cast %swap3A_635 : vector<16xf32> to vector<16xf32>
      %swap3A_637 = vector.shape_cast %broadcast_in_dim3A_633 : vector<16xf32> to vector<16xf32>
      tpu.vector_store %arg9[%swap3A_634], %swap3A_637 {strides = array<i32>} : memref<2048xf32, #tpu.memory_space<vmem>>, vector<16xf32>,
      %broadcast_in_dim3A_638 = arith.constant 0.000000e+00 : f32
      %broadcast_in_dim3A_639 = vector.broadcast %broadcast_in_dim3A_638 : f32 to vector<16xf32>
      %swap3A_640 = arith.constant 1536 : index
      %swap3A_641 = tpu.vector_load %arg9[%swap3A_640] {strides = array<i32>} : memref<2048xf32, #tpu.memory_space<vmem>>, vector<16xf32>,
      %swap3A_642 = vector.shape_cast %swap3A_641 : vector<16xf32> to vector<16xf32>
      %swap3A_643 = vector.shape_cast %broadcast_in_dim3A_639 : vector<16xf32> to vector<16xf32>
      tpu.vector_store %arg9[%swap3A_640], %swap3A_643 {strides = array<i32>} : memref<2048xf32, #tpu.memory_space<vmem>>, vector<16xf32>,
      %broadcast_in_dim3A_644 = arith.constant 0.000000e+00 : f32
      %broadcast_in_dim3A_645 = vector.broadcast %broadcast_in_dim3A_644 : f32 to vector<16xf32>
      %swap3A_646 = arith.constant 1552 : index
      %swap3A_647 = tpu.vector_load %arg9[%swap3A_646] {strides = array<i32>} : memref<2048xf32, #tpu.memory_space<vmem>>, vector<16xf32>,
      %swap3A_648 = vector.shape_cast %swap3A_647 : vector<16xf32> to vector<16xf32>
      %swap3A_649 = vector.shape_cast %broadcast_in_dim3A_645 : vector<16xf32> to vector<16xf32>
      tpu.vector_store %arg9[%swap3A_646], %swap3A_649 {strides = array<i32>} : memref<2048xf32, #tpu.memory_space<vmem>>, vector<16xf32>,
      %broadcast_in_dim3A_650 = arith.constant 0.000000e+00 : f32
      %broadcast_in_dim3A_651 = vector.broadcast %broadcast_in_dim3A_650 : f32 to vector<16xf32>
      %swap3A_652 = arith.constant 1568 : index
      %swap3A_653 = tpu.vector_load %arg9[%swap3A_652] {strides = array<i32>} : memref<2048xf32, #tpu.memory_space<vmem>>, vector<16xf32>,
      %swap3A_654 = vector.shape_cast %swap3A_653 : vector<16xf32> to vector<16xf32>
      %swap3A_655 = vector.shape_cast %broadcast_in_dim3A_651 : vector<16xf32> to vector<16xf32>
      tpu.vector_store %arg9[%swap3A_652], %swap3A_655 {strides = array<i32>} : memref<2048xf32, #tpu.memory_space<vmem>>, vector<16xf32>,
      %broadcast_in_dim3A_656 = arith.constant 0.000000e+00 : f32
      %broadcast_in_dim3A_657 = vector.broadcast %broadcast_in_dim3A_656 : f32 to vector<16xf32>
      %swap3A_658 = arith.constant 1584 : index
      %swap3A_659 = tpu.vector_load %arg9[%swap3A_658] {strides = array<i32>} : memref<2048xf32, #tpu.memory_space<vmem>>, vector<16xf32>,
      %swap3A_660 = vector.shape_cast %swap3A_659 : vector<16xf32> to vector<16xf32>
      %swap3A_661 = vector.shape_cast %broadcast_in_dim3A_657 : vector<16xf32> to vector<16xf32>
      tpu.vector_store %arg9[%swap3A_658], %swap3A_661 {strides = array<i32>} : memref<2048xf32, #tpu.memory_space<vmem>>, vector<16xf32>,
      %broadcast_in_dim3A_662 = arith.constant 0.000000e+00 : f32
      %broadcast_in_dim3A_663 = vector.broadcast %broadcast_in_dim3A_662 : f32 to vector<16xf32>
      %swap3A_664 = arith.constant 1600 : index
      %swap3A_665 = tpu.vector_load %arg9[%swap3A_664] {strides = array<i32>} : memref<2048xf32, #tpu.memory_space<vmem>>, vector<16xf32>,
      %swap3A_666 = vector.shape_cast %swap3A_665 : vector<16xf32> to vector<16xf32>
      %swap3A_667 = vector.shape_cast %broadcast_in_dim3A_663 : vector<16xf32> to vector<16xf32>
      tpu.vector_store %arg9[%swap3A_664], %swap3A_667 {strides = array<i32>} : memref<2048xf32, #tpu.memory_space<vmem>>, vector<16xf32>,
      %broadcast_in_dim3A_668 = arith.constant 0.000000e+00 : f32
      %broadcast_in_dim3A_669 = vector.broadcast %broadcast_in_dim3A_668 : f32 to vector<16xf32>
      %swap3A_670 = arith.constant 1616 : index
      %swap3A_671 = tpu.vector_load %arg9[%swap3A_670] {strides = array<i32>} : memref<2048xf32, #tpu.memory_space<vmem>>, vector<16xf32>,
      %swap3A_672 = vector.shape_cast %swap3A_671 : vector<16xf32> to vector<16xf32>
      %swap3A_673 = vector.shape_cast %broadcast_in_dim3A_669 : vector<16xf32> to vector<16xf32>
      tpu.vector_store %arg9[%swap3A_670], %swap3A_673 {strides = array<i32>} : memref<2048xf32, #tpu.memory_space<vmem>>, vector<16xf32>,
      %broadcast_in_dim3A_674 = arith.constant 0.000000e+00 : f32
      %broadcast_in_dim3A_675 = vector.broadcast %broadcast_in_dim3A_674 : f32 to vector<16xf32>
      %swap3A_676 = arith.constant 1632 : index
      %swap3A_677 = tpu.vector_load %arg9[%swap3A_676] {strides = array<i32>} : memref<2048xf32, #tpu.memory_space<vmem>>, vector<16xf32>,
      %swap3A_678 = vector.shape_cast %swap3A_677 : vector<16xf32> to vector<16xf32>
      %swap3A_679 = vector.shape_cast %broadcast_in_dim3A_675 : vector<16xf32> to vector<16xf32>
      tpu.vector_store %arg9[%swap3A_676], %swap3A_679 {strides = array<i32>} : memref<2048xf32, #tpu.memory_space<vmem>>, vector<16xf32>,
      %broadcast_in_dim3A_680 = arith.constant 0.000000e+00 : f32
      %broadcast_in_dim3A_681 = vector.broadcast %broadcast_in_dim3A_680 : f32 to vector<16xf32>
      %swap3A_682 = arith.constant 1648 : index
      %swap3A_683 = tpu.vector_load %arg9[%swap3A_682] {strides = array<i32>} : memref<2048xf32, #tpu.memory_space<vmem>>, vector<16xf32>,
      %swap3A_684 = vector.shape_cast %swap3A_683 : vector<16xf32> to vector<16xf32>
      %swap3A_685 = vector.shape_cast %broadcast_in_dim3A_681 : vector<16xf32> to vector<16xf32>
      tpu.vector_store %arg9[%swap3A_682], %swap3A_685 {strides = array<i32>} : memref<2048xf32, #tpu.memory_space<vmem>>, vector<16xf32>,
      %broadcast_in_dim3A_686 = arith.constant 0.000000e+00 : f32
      %broadcast_in_dim3A_687 = vector.broadcast %broadcast_in_dim3A_686 : f32 to vector<16xf32>
      %swap3A_688 = arith.constant 1664 : index
      %swap3A_689 = tpu.vector_load %arg9[%swap3A_688] {strides = array<i32>} : memref<2048xf32, #tpu.memory_space<vmem>>, vector<16xf32>,
      %swap3A_690 = vector.shape_cast %swap3A_689 : vector<16xf32> to vector<16xf32>
      %swap3A_691 = vector.shape_cast %broadcast_in_dim3A_687 : vector<16xf32> to vector<16xf32>
      tpu.vector_store %arg9[%swap3A_688], %swap3A_691 {strides = array<i32>} : memref<2048xf32, #tpu.memory_space<vmem>>, vector<16xf32>,
      %broadcast_in_dim3A_692 = arith.constant 0.000000e+00 : f32
      %broadcast_in_dim3A_693 = vector.broadcast %broadcast_in_dim3A_692 : f32 to vector<16xf32>
      %swap3A_694 = arith.constant 1680 : index
      %swap3A_695 = tpu.vector_load %arg9[%swap3A_694] {strides = array<i32>} : memref<2048xf32, #tpu.memory_space<vmem>>, vector<16xf32>,
      %swap3A_696 = vector.shape_cast %swap3A_695 : vector<16xf32> to vector<16xf32>
      %swap3A_697 = vector.shape_cast %broadcast_in_dim3A_693 : vector<16xf32> to vector<16xf32>
      tpu.vector_store %arg9[%swap3A_694], %swap3A_697 {strides = array<i32>} : memref<2048xf32, #tpu.memory_space<vmem>>, vector<16xf32>,
      %broadcast_in_dim3A_698 = arith.constant 0.000000e+00 : f32
      %broadcast_in_dim3A_699 = vector.broadcast %broadcast_in_dim3A_698 : f32 to vector<16xf32>
      %swap3A_700 = arith.constant 1696 : index
      %swap3A_701 = tpu.vector_load %arg9[%swap3A_700] {strides = array<i32>} : memref<2048xf32, #tpu.memory_space<vmem>>, vector<16xf32>,
      %swap3A_702 = vector.shape_cast %swap3A_701 : vector<16xf32> to vector<16xf32>
      %swap3A_703 = vector.shape_cast %broadcast_in_dim3A_699 : vector<16xf32> to vector<16xf32>
      tpu.vector_store %arg9[%swap3A_700], %swap3A_703 {strides = array<i32>} : memref<2048xf32, #tpu.memory_space<vmem>>, vector<16xf32>,
      %broadcast_in_dim3A_704 = arith.constant 0.000000e+00 : f32
      %broadcast_in_dim3A_705 = vector.broadcast %broadcast_in_dim3A_704 : f32 to vector<16xf32>
      %swap3A_706 = arith.constant 1712 : index
      %swap3A_707 = tpu.vector_load %arg9[%swap3A_706] {strides = array<i32>} : memref<2048xf32, #tpu.memory_space<vmem>>, vector<16xf32>,
      %swap3A_708 = vector.shape_cast %swap3A_707 : vector<16xf32> to vector<16xf32>
      %swap3A_709 = vector.shape_cast %broadcast_in_dim3A_705 : vector<16xf32> to vector<16xf32>
      tpu.vector_store %arg9[%swap3A_706], %swap3A_709 {strides = array<i32>} : memref<2048xf32, #tpu.memory_space<vmem>>, vector<16xf32>,
      %broadcast_in_dim3A_710 = arith.constant 0.000000e+00 : f32
      %broadcast_in_dim3A_711 = vector.broadcast %broadcast_in_dim3A_710 : f32 to vector<16xf32>
      %swap3A_712 = arith.constant 1728 : index
      %swap3A_713 = tpu.vector_load %arg9[%swap3A_712] {strides = array<i32>} : memref<2048xf32, #tpu.memory_space<vmem>>, vector<16xf32>,
      %swap3A_714 = vector.shape_cast %swap3A_713 : vector<16xf32> to vector<16xf32>
      %swap3A_715 = vector.shape_cast %broadcast_in_dim3A_711 : vector<16xf32> to vector<16xf32>
      tpu.vector_store %arg9[%swap3A_712], %swap3A_715 {strides = array<i32>} : memref<2048xf32, #tpu.memory_space<vmem>>, vector<16xf32>,
      %broadcast_in_dim3A_716 = arith.constant 0.000000e+00 : f32
      %broadcast_in_dim3A_717 = vector.broadcast %broadcast_in_dim3A_716 : f32 to vector<16xf32>
      %swap3A_718 = arith.constant 1744 : index
      %swap3A_719 = tpu.vector_load %arg9[%swap3A_718] {strides = array<i32>} : memref<2048xf32, #tpu.memory_space<vmem>>, vector<16xf32>,
      %swap3A_720 = vector.shape_cast %swap3A_719 : vector<16xf32> to vector<16xf32>
      %swap3A_721 = vector.shape_cast %broadcast_in_dim3A_717 : vector<16xf32> to vector<16xf32>
      tpu.vector_store %arg9[%swap3A_718], %swap3A_721 {strides = array<i32>} : memref<2048xf32, #tpu.memory_space<vmem>>, vector<16xf32>,
      %broadcast_in_dim3A_722 = arith.constant 0.000000e+00 : f32
      %broadcast_in_dim3A_723 = vector.broadcast %broadcast_in_dim3A_722 : f32 to vector<16xf32>
      %swap3A_724 = arith.constant 1760 : index
      %swap3A_725 = tpu.vector_load %arg9[%swap3A_724] {strides = array<i32>} : memref<2048xf32, #tpu.memory_space<vmem>>, vector<16xf32>,
      %swap3A_726 = vector.shape_cast %swap3A_725 : vector<16xf32> to vector<16xf32>
      %swap3A_727 = vector.shape_cast %broadcast_in_dim3A_723 : vector<16xf32> to vector<16xf32>
      tpu.vector_store %arg9[%swap3A_724], %swap3A_727 {strides = array<i32>} : memref<2048xf32, #tpu.memory_space<vmem>>, vector<16xf32>,
      %broadcast_in_dim3A_728 = arith.constant 0.000000e+00 : f32
      %broadcast_in_dim3A_729 = vector.broadcast %broadcast_in_dim3A_728 : f32 to vector<16xf32>
      %swap3A_730 = arith.constant 1776 : index
      %swap3A_731 = tpu.vector_load %arg9[%swap3A_730] {strides = array<i32>} : memref<2048xf32, #tpu.memory_space<vmem>>, vector<16xf32>,
      %swap3A_732 = vector.shape_cast %swap3A_731 : vector<16xf32> to vector<16xf32>
      %swap3A_733 = vector.shape_cast %broadcast_in_dim3A_729 : vector<16xf32> to vector<16xf32>
      tpu.vector_store %arg9[%swap3A_730], %swap3A_733 {strides = array<i32>} : memref<2048xf32, #tpu.memory_space<vmem>>, vector<16xf32>,
      %broadcast_in_dim3A_734 = arith.constant 0.000000e+00 : f32
      %broadcast_in_dim3A_735 = vector.broadcast %broadcast_in_dim3A_734 : f32 to vector<16xf32>
      %swap3A_736 = arith.constant 1792 : index
      %swap3A_737 = tpu.vector_load %arg9[%swap3A_736] {strides = array<i32>} : memref<2048xf32, #tpu.memory_space<vmem>>, vector<16xf32>,
      %swap3A_738 = vector.shape_cast %swap3A_737 : vector<16xf32> to vector<16xf32>
      %swap3A_739 = vector.shape_cast %broadcast_in_dim3A_735 : vector<16xf32> to vector<16xf32>
      tpu.vector_store %arg9[%swap3A_736], %swap3A_739 {strides = array<i32>} : memref<2048xf32, #tpu.memory_space<vmem>>, vector<16xf32>,
      %broadcast_in_dim3A_740 = arith.constant 0.000000e+00 : f32
      %broadcast_in_dim3A_741 = vector.broadcast %broadcast_in_dim3A_740 : f32 to vector<16xf32>
      %swap3A_742 = arith.constant 1808 : index
      %swap3A_743 = tpu.vector_load %arg9[%swap3A_742] {strides = array<i32>} : memref<2048xf32, #tpu.memory_space<vmem>>, vector<16xf32>,
      %swap3A_744 = vector.shape_cast %swap3A_743 : vector<16xf32> to vector<16xf32>
      %swap3A_745 = vector.shape_cast %broadcast_in_dim3A_741 : vector<16xf32> to vector<16xf32>
      tpu.vector_store %arg9[%swap3A_742], %swap3A_745 {strides = array<i32>} : memref<2048xf32, #tpu.memory_space<vmem>>, vector<16xf32>,
      %broadcast_in_dim3A_746 = arith.constant 0.000000e+00 : f32
      %broadcast_in_dim3A_747 = vector.broadcast %broadcast_in_dim3A_746 : f32 to vector<16xf32>
      %swap3A_748 = arith.constant 1824 : index
      %swap3A_749 = tpu.vector_load %arg9[%swap3A_748] {strides = array<i32>} : memref<2048xf32, #tpu.memory_space<vmem>>, vector<16xf32>,
      %swap3A_750 = vector.shape_cast %swap3A_749 : vector<16xf32> to vector<16xf32>
      %swap3A_751 = vector.shape_cast %broadcast_in_dim3A_747 : vector<16xf32> to vector<16xf32>
      tpu.vector_store %arg9[%swap3A_748], %swap3A_751 {strides = array<i32>} : memref<2048xf32, #tpu.memory_space<vmem>>, vector<16xf32>,
      %broadcast_in_dim3A_752 = arith.constant 0.000000e+00 : f32
      %broadcast_in_dim3A_753 = vector.broadcast %broadcast_in_dim3A_752 : f32 to vector<16xf32>
      %swap3A_754 = arith.constant 1840 : index
      %swap3A_755 = tpu.vector_load %arg9[%swap3A_754] {strides = array<i32>} : memref<2048xf32, #tpu.memory_space<vmem>>, vector<16xf32>,
      %swap3A_756 = vector.shape_cast %swap3A_755 : vector<16xf32> to vector<16xf32>
      %swap3A_757 = vector.shape_cast %broadcast_in_dim3A_753 : vector<16xf32> to vector<16xf32>
      tpu.vector_store %arg9[%swap3A_754], %swap3A_757 {strides = array<i32>} : memref<2048xf32, #tpu.memory_space<vmem>>, vector<16xf32>,
      %broadcast_in_dim3A_758 = arith.constant 0.000000e+00 : f32
      %broadcast_in_dim3A_759 = vector.broadcast %broadcast_in_dim3A_758 : f32 to vector<16xf32>
      %swap3A_760 = arith.constant 1856 : index
      %swap3A_761 = tpu.vector_load %arg9[%swap3A_760] {strides = array<i32>} : memref<2048xf32, #tpu.memory_space<vmem>>, vector<16xf32>,
      %swap3A_762 = vector.shape_cast %swap3A_761 : vector<16xf32> to vector<16xf32>
      %swap3A_763 = vector.shape_cast %broadcast_in_dim3A_759 : vector<16xf32> to vector<16xf32>
      tpu.vector_store %arg9[%swap3A_760], %swap3A_763 {strides = array<i32>} : memref<2048xf32, #tpu.memory_space<vmem>>, vector<16xf32>,
      %broadcast_in_dim3A_764 = arith.constant 0.000000e+00 : f32
      %broadcast_in_dim3A_765 = vector.broadcast %broadcast_in_dim3A_764 : f32 to vector<16xf32>
      %swap3A_766 = arith.constant 1872 : index
      %swap3A_767 = tpu.vector_load %arg9[%swap3A_766] {strides = array<i32>} : memref<2048xf32, #tpu.memory_space<vmem>>, vector<16xf32>,
      %swap3A_768 = vector.shape_cast %swap3A_767 : vector<16xf32> to vector<16xf32>
      %swap3A_769 = vector.shape_cast %broadcast_in_dim3A_765 : vector<16xf32> to vector<16xf32>
      tpu.vector_store %arg9[%swap3A_766], %swap3A_769 {strides = array<i32>} : memref<2048xf32, #tpu.memory_space<vmem>>, vector<16xf32>,
      %broadcast_in_dim3A_770 = arith.constant 0.000000e+00 : f32
      %broadcast_in_dim3A_771 = vector.broadcast %broadcast_in_dim3A_770 : f32 to vector<16xf32>
      %swap3A_772 = arith.constant 1888 : index
      %swap3A_773 = tpu.vector_load %arg9[%swap3A_772] {strides = array<i32>} : memref<2048xf32, #tpu.memory_space<vmem>>, vector<16xf32>,
      %swap3A_774 = vector.shape_cast %swap3A_773 : vector<16xf32> to vector<16xf32>
      %swap3A_775 = vector.shape_cast %broadcast_in_dim3A_771 : vector<16xf32> to vector<16xf32>
      tpu.vector_store %arg9[%swap3A_772], %swap3A_775 {strides = array<i32>} : memref<2048xf32, #tpu.memory_space<vmem>>, vector<16xf32>,
      %broadcast_in_dim3A_776 = arith.constant 0.000000e+00 : f32
      %broadcast_in_dim3A_777 = vector.broadcast %broadcast_in_dim3A_776 : f32 to vector<16xf32>
      %swap3A_778 = arith.constant 1904 : index
      %swap3A_779 = tpu.vector_load %arg9[%swap3A_778] {strides = array<i32>} : memref<2048xf32, #tpu.memory_space<vmem>>, vector<16xf32>,
      %swap3A_780 = vector.shape_cast %swap3A_779 : vector<16xf32> to vector<16xf32>
      %swap3A_781 = vector.shape_cast %broadcast_in_dim3A_777 : vector<16xf32> to vector<16xf32>
      tpu.vector_store %arg9[%swap3A_778], %swap3A_781 {strides = array<i32>} : memref<2048xf32, #tpu.memory_space<vmem>>, vector<16xf32>,
      %broadcast_in_dim3A_782 = arith.constant 0.000000e+00 : f32
      %broadcast_in_dim3A_783 = vector.broadcast %broadcast_in_dim3A_782 : f32 to vector<16xf32>
      %swap3A_784 = arith.constant 1920 : index
      %swap3A_785 = tpu.vector_load %arg9[%swap3A_784] {strides = array<i32>} : memref<2048xf32, #tpu.memory_space<vmem>>, vector<16xf32>,
      %swap3A_786 = vector.shape_cast %swap3A_785 : vector<16xf32> to vector<16xf32>
      %swap3A_787 = vector.shape_cast %broadcast_in_dim3A_783 : vector<16xf32> to vector<16xf32>
      tpu.vector_store %arg9[%swap3A_784], %swap3A_787 {strides = array<i32>} : memref<2048xf32, #tpu.memory_space<vmem>>, vector<16xf32>,
      %broadcast_in_dim3A_788 = arith.constant 0.000000e+00 : f32
      %broadcast_in_dim3A_789 = vector.broadcast %broadcast_in_dim3A_788 : f32 to vector<16xf32>
      %swap3A_790 = arith.constant 1936 : index
      %swap3A_791 = tpu.vector_load %arg9[%swap3A_790] {strides = array<i32>} : memref<2048xf32, #tpu.memory_space<vmem>>, vector<16xf32>,
      %swap3A_792 = vector.shape_cast %swap3A_791 : vector<16xf32> to vector<16xf32>
      %swap3A_793 = vector.shape_cast %broadcast_in_dim3A_789 : vector<16xf32> to vector<16xf32>
      tpu.vector_store %arg9[%swap3A_790], %swap3A_793 {strides = array<i32>} : memref<2048xf32, #tpu.memory_space<vmem>>, vector<16xf32>,
      %broadcast_in_dim3A_794 = arith.constant 0.000000e+00 : f32
      %broadcast_in_dim3A_795 = vector.broadcast %broadcast_in_dim3A_794 : f32 to vector<16xf32>
      %swap3A_796 = arith.constant 1952 : index
      %swap3A_797 = tpu.vector_load %arg9[%swap3A_796] {strides = array<i32>} : memref<2048xf32, #tpu.memory_space<vmem>>, vector<16xf32>,
      %swap3A_798 = vector.shape_cast %swap3A_797 : vector<16xf32> to vector<16xf32>
      %swap3A_799 = vector.shape_cast %broadcast_in_dim3A_795 : vector<16xf32> to vector<16xf32>
      tpu.vector_store %arg9[%swap3A_796], %swap3A_799 {strides = array<i32>} : memref<2048xf32, #tpu.memory_space<vmem>>, vector<16xf32>,
      %broadcast_in_dim3A_800 = arith.constant 0.000000e+00 : f32
      %broadcast_in_dim3A_801 = vector.broadcast %broadcast_in_dim3A_800 : f32 to vector<16xf32>
      %swap3A_802 = arith.constant 1968 : index
      %swap3A_803 = tpu.vector_load %arg9[%swap3A_802] {strides = array<i32>} : memref<2048xf32, #tpu.memory_space<vmem>>, vector<16xf32>,
      %swap3A_804 = vector.shape_cast %swap3A_803 : vector<16xf32> to vector<16xf32>
      %swap3A_805 = vector.shape_cast %broadcast_in_dim3A_801 : vector<16xf32> to vector<16xf32>
      tpu.vector_store %arg9[%swap3A_802], %swap3A_805 {strides = array<i32>} : memref<2048xf32, #tpu.memory_space<vmem>>, vector<16xf32>,
      %broadcast_in_dim3A_806 = arith.constant 0.000000e+00 : f32
      %broadcast_in_dim3A_807 = vector.broadcast %broadcast_in_dim3A_806 : f32 to vector<16xf32>
      %swap3A_808 = arith.constant 1984 : index
      %swap3A_809 = tpu.vector_load %arg9[%swap3A_808] {strides = array<i32>} : memref<2048xf32, #tpu.memory_space<vmem>>, vector<16xf32>,
      %swap3A_810 = vector.shape_cast %swap3A_809 : vector<16xf32> to vector<16xf32>
      %swap3A_811 = vector.shape_cast %broadcast_in_dim3A_807 : vector<16xf32> to vector<16xf32>
      tpu.vector_store %arg9[%swap3A_808], %swap3A_811 {strides = array<i32>} : memref<2048xf32, #tpu.memory_space<vmem>>, vector<16xf32>,
      %broadcast_in_dim3A_812 = arith.constant 0.000000e+00 : f32
      %broadcast_in_dim3A_813 = vector.broadcast %broadcast_in_dim3A_812 : f32 to vector<16xf32>
      %swap3A_814 = arith.constant 2000 : index
      %swap3A_815 = tpu.vector_load %arg9[%swap3A_814] {strides = array<i32>} : memref<2048xf32, #tpu.memory_space<vmem>>, vector<16xf32>,
      %swap3A_816 = vector.shape_cast %swap3A_815 : vector<16xf32> to vector<16xf32>
      %swap3A_817 = vector.shape_cast %broadcast_in_dim3A_813 : vector<16xf32> to vector<16xf32>
      tpu.vector_store %arg9[%swap3A_814], %swap3A_817 {strides = array<i32>} : memref<2048xf32, #tpu.memory_space<vmem>>, vector<16xf32>,
      %broadcast_in_dim3A_818 = arith.constant 0.000000e+00 : f32
      %broadcast_in_dim3A_819 = vector.broadcast %broadcast_in_dim3A_818 : f32 to vector<16xf32>
      %swap3A_820 = arith.constant 2016 : index
      %swap3A_821 = tpu.vector_load %arg9[%swap3A_820] {strides = array<i32>} : memref<2048xf32, #tpu.memory_space<vmem>>, vector<16xf32>,
      %swap3A_822 = vector.shape_cast %swap3A_821 : vector<16xf32> to vector<16xf32>
      %swap3A_823 = vector.shape_cast %broadcast_in_dim3A_819 : vector<16xf32> to vector<16xf32>
      tpu.vector_store %arg9[%swap3A_820], %swap3A_823 {strides = array<i32>} : memref<2048xf32, #tpu.memory_space<vmem>>, vector<16xf32>,
      %broadcast_in_dim3A_824 = arith.constant 0.000000e+00 : f32
      %broadcast_in_dim3A_825 = vector.broadcast %broadcast_in_dim3A_824 : f32 to vector<16xf32>
      %swap3A_826 = arith.constant 2032 : index
      %swap3A_827 = tpu.vector_load %arg9[%swap3A_826] {strides = array<i32>} : memref<2048xf32, #tpu.memory_space<vmem>>, vector<16xf32>,
      %swap3A_828 = vector.shape_cast %swap3A_827 : vector<16xf32> to vector<16xf32>
      %swap3A_829 = vector.shape_cast %broadcast_in_dim3A_825 : vector<16xf32> to vector<16xf32>
      tpu.vector_store %arg9[%swap3A_826], %swap3A_829 {strides = array<i32>} : memref<2048xf32, #tpu.memory_space<vmem>>, vector<16xf32>,
      "tpu.region"() ({
        %run_scoped3A = tpu.sem_alloc : memref<!tpu.dma_semaphore, #tpu.memory_space<semaphore_mem>>
        %dma_start3A = arith.constant 0 : i32
        %dma_start3A_830 = tpu.memref_slice %arg10[%dma_start3A] : memref<32768xf32, #tpu.memory_space<vmem_shared>> -> memref<2048xf32, #tpu.memory_space<vmem_shared>>
        %dma_start3A_831 = arith.constant 0 : i32
        %dma_start3A_832 = tpu.memref_slice %arg10[%dma_start3A_831] : memref<32768xf32, #tpu.memory_space<vmem_shared>> -> memref<2048xf32, #tpu.memory_space<vmem_shared>>
        tpu.enqueue_dma source(%arg9 : memref<2048xf32, #tpu.memory_space<vmem>>) target(%dma_start3A_832 : memref<2048xf32, #tpu.memory_space<vmem_shared>>) target_semaphore(%run_scoped3A : memref<!tpu.dma_semaphore, #tpu.memory_space<semaphore_mem>>)
        %dma_wait3A = arith.constant 0 : i32
        %dma_wait3A_833 = tpu.memref_slice %arg10[%dma_wait3A] : memref<32768xf32, #tpu.memory_space<vmem_shared>> -> memref<2048xf32, #tpu.memory_space<vmem_shared>>
        %dma_wait3A_834 = arith.constant 0 : i32
        %dma_wait3A_835 = tpu.memref_slice %arg10[%dma_wait3A_834] : memref<32768xf32, #tpu.memory_space<vmem_shared>> -> memref<2048xf32, #tpu.memory_space<vmem_shared>>
        tpu.wait_dma2 semaphore(%run_scoped3A : memref<!tpu.dma_semaphore, #tpu.memory_space<semaphore_mem>>) src(%arg9 : memref<2048xf32, #tpu.memory_space<vmem>>) dst(%dma_wait3A_835 : memref<2048xf32, #tpu.memory_space<vmem_shared>>)
        tpu.yield
      }) : () -> ()
      "tpu.region"() ({
        %run_scoped3A = tpu.sem_alloc : memref<!tpu.dma_semaphore, #tpu.memory_space<semaphore_mem>>
        %dma_start3A = arith.constant 2048 : i32
        %dma_start3A_830 = tpu.memref_slice %arg10[%dma_start3A] : memref<32768xf32, #tpu.memory_space<vmem_shared>> -> memref<2048xf32, #tpu.memory_space<vmem_shared>>
        %dma_start3A_831 = arith.constant 2048 : i32
        %dma_start3A_832 = tpu.memref_slice %arg10[%dma_start3A_831] : memref<32768xf32, #tpu.memory_space<vmem_shared>> -> memref<2048xf32, #tpu.memory_space<vmem_shared>>
        tpu.enqueue_dma source(%arg9 : memref<2048xf32, #tpu.memory_space<vmem>>) target(%dma_start3A_832 : memref<2048xf32, #tpu.memory_space<vmem_shared>>) target_semaphore(%run_scoped3A : memref<!tpu.dma_semaphore, #tpu.memory_space<semaphore_mem>>)
        %dma_wait3A = arith.constant 2048 : i32
        %dma_wait3A_833 = tpu.memref_slice %arg10[%dma_wait3A] : memref<32768xf32, #tpu.memory_space<vmem_shared>> -> memref<2048xf32, #tpu.memory_space<vmem_shared>>
        %dma_wait3A_834 = arith.constant 2048 : i32
        %dma_wait3A_835 = tpu.memref_slice %arg10[%dma_wait3A_834] : memref<32768xf32, #tpu.memory_space<vmem_shared>> -> memref<2048xf32, #tpu.memory_space<vmem_shared>>
        tpu.wait_dma2 semaphore(%run_scoped3A : memref<!tpu.dma_semaphore, #tpu.memory_space<semaphore_mem>>) src(%arg9 : memref<2048xf32, #tpu.memory_space<vmem>>) dst(%dma_wait3A_835 : memref<2048xf32, #tpu.memory_space<vmem_shared>>)
        tpu.yield
      }) : () -> ()
      "tpu.region"() ({
        %run_scoped3A = tpu.sem_alloc : memref<!tpu.dma_semaphore, #tpu.memory_space<semaphore_mem>>
        %dma_start3A = arith.constant 4096 : i32
        %dma_start3A_830 = tpu.memref_slice %arg10[%dma_start3A] : memref<32768xf32, #tpu.memory_space<vmem_shared>> -> memref<2048xf32, #tpu.memory_space<vmem_shared>>
        %dma_start3A_831 = arith.constant 4096 : i32
        %dma_start3A_832 = tpu.memref_slice %arg10[%dma_start3A_831] : memref<32768xf32, #tpu.memory_space<vmem_shared>> -> memref<2048xf32, #tpu.memory_space<vmem_shared>>
        tpu.enqueue_dma source(%arg9 : memref<2048xf32, #tpu.memory_space<vmem>>) target(%dma_start3A_832 : memref<2048xf32, #tpu.memory_space<vmem_shared>>) target_semaphore(%run_scoped3A : memref<!tpu.dma_semaphore, #tpu.memory_space<semaphore_mem>>)
        %dma_wait3A = arith.constant 4096 : i32
        %dma_wait3A_833 = tpu.memref_slice %arg10[%dma_wait3A] : memref<32768xf32, #tpu.memory_space<vmem_shared>> -> memref<2048xf32, #tpu.memory_space<vmem_shared>>
        %dma_wait3A_834 = arith.constant 4096 : i32
        %dma_wait3A_835 = tpu.memref_slice %arg10[%dma_wait3A_834] : memref<32768xf32, #tpu.memory_space<vmem_shared>> -> memref<2048xf32, #tpu.memory_space<vmem_shared>>
        tpu.wait_dma2 semaphore(%run_scoped3A : memref<!tpu.dma_semaphore, #tpu.memory_space<semaphore_mem>>) src(%arg9 : memref<2048xf32, #tpu.memory_space<vmem>>) dst(%dma_wait3A_835 : memref<2048xf32, #tpu.memory_space<vmem_shared>>)
        tpu.yield
      }) : () -> ()
      "tpu.region"() ({
        %run_scoped3A = tpu.sem_alloc : memref<!tpu.dma_semaphore, #tpu.memory_space<semaphore_mem>>
        %dma_start3A = arith.constant 6144 : i32
        %dma_start3A_830 = tpu.memref_slice %arg10[%dma_start3A] : memref<32768xf32, #tpu.memory_space<vmem_shared>> -> memref<2048xf32, #tpu.memory_space<vmem_shared>>
        %dma_start3A_831 = arith.constant 6144 : i32
        %dma_start3A_832 = tpu.memref_slice %arg10[%dma_start3A_831] : memref<32768xf32, #tpu.memory_space<vmem_shared>> -> memref<2048xf32, #tpu.memory_space<vmem_shared>>
        tpu.enqueue_dma source(%arg9 : memref<2048xf32, #tpu.memory_space<vmem>>) target(%dma_start3A_832 : memref<2048xf32, #tpu.memory_space<vmem_shared>>) target_semaphore(%run_scoped3A : memref<!tpu.dma_semaphore, #tpu.memory_space<semaphore_mem>>)
        %dma_wait3A = arith.constant 6144 : i32
        %dma_wait3A_833 = tpu.memref_slice %arg10[%dma_wait3A] : memref<32768xf32, #tpu.memory_space<vmem_shared>> -> memref<2048xf32, #tpu.memory_space<vmem_shared>>
        %dma_wait3A_834 = arith.constant 6144 : i32
        %dma_wait3A_835 = tpu.memref_slice %arg10[%dma_wait3A_834] : memref<32768xf32, #tpu.memory_space<vmem_shared>> -> memref<2048xf32, #tpu.memory_space<vmem_shared>>
        tpu.wait_dma2 semaphore(%run_scoped3A : memref<!tpu.dma_semaphore, #tpu.memory_space<semaphore_mem>>) src(%arg9 : memref<2048xf32, #tpu.memory_space<vmem>>) dst(%dma_wait3A_835 : memref<2048xf32, #tpu.memory_space<vmem_shared>>)
        tpu.yield
      }) : () -> ()
      "tpu.region"() ({
        %run_scoped3A = tpu.sem_alloc : memref<!tpu.dma_semaphore, #tpu.memory_space<semaphore_mem>>
        %dma_start3A = arith.constant 8192 : i32
        %dma_start3A_830 = tpu.memref_slice %arg10[%dma_start3A] : memref<32768xf32, #tpu.memory_space<vmem_shared>> -> memref<2048xf32, #tpu.memory_space<vmem_shared>>
        %dma_start3A_831 = arith.constant 8192 : i32
        %dma_start3A_832 = tpu.memref_slice %arg10[%dma_start3A_831] : memref<32768xf32, #tpu.memory_space<vmem_shared>> -> memref<2048xf32, #tpu.memory_space<vmem_shared>>
        tpu.enqueue_dma source(%arg9 : memref<2048xf32, #tpu.memory_space<vmem>>) target(%dma_start3A_832 : memref<2048xf32, #tpu.memory_space<vmem_shared>>) target_semaphore(%run_scoped3A : memref<!tpu.dma_semaphore, #tpu.memory_space<semaphore_mem>>)
        %dma_wait3A = arith.constant 8192 : i32
        %dma_wait3A_833 = tpu.memref_slice %arg10[%dma_wait3A] : memref<32768xf32, #tpu.memory_space<vmem_shared>> -> memref<2048xf32, #tpu.memory_space<vmem_shared>>
        %dma_wait3A_834 = arith.constant 8192 : i32
        %dma_wait3A_835 = tpu.memref_slice %arg10[%dma_wait3A_834] : memref<32768xf32, #tpu.memory_space<vmem_shared>> -> memref<2048xf32, #tpu.memory_space<vmem_shared>>
        tpu.wait_dma2 semaphore(%run_scoped3A : memref<!tpu.dma_semaphore, #tpu.memory_space<semaphore_mem>>) src(%arg9 : memref<2048xf32, #tpu.memory_space<vmem>>) dst(%dma_wait3A_835 : memref<2048xf32, #tpu.memory_space<vmem_shared>>)
        tpu.yield
      }) : () -> ()
      "tpu.region"() ({
        %run_scoped3A = tpu.sem_alloc : memref<!tpu.dma_semaphore, #tpu.memory_space<semaphore_mem>>
        %dma_start3A = arith.constant 10240 : i32
        %dma_start3A_830 = tpu.memref_slice %arg10[%dma_start3A] : memref<32768xf32, #tpu.memory_space<vmem_shared>> -> memref<2048xf32, #tpu.memory_space<vmem_shared>>
        %dma_start3A_831 = arith.constant 10240 : i32
        %dma_start3A_832 = tpu.memref_slice %arg10[%dma_start3A_831] : memref<32768xf32, #tpu.memory_space<vmem_shared>> -> memref<2048xf32, #tpu.memory_space<vmem_shared>>
        tpu.enqueue_dma source(%arg9 : memref<2048xf32, #tpu.memory_space<vmem>>) target(%dma_start3A_832 : memref<2048xf32, #tpu.memory_space<vmem_shared>>) target_semaphore(%run_scoped3A : memref<!tpu.dma_semaphore, #tpu.memory_space<semaphore_mem>>)
        %dma_wait3A = arith.constant 10240 : i32
        %dma_wait3A_833 = tpu.memref_slice %arg10[%dma_wait3A] : memref<32768xf32, #tpu.memory_space<vmem_shared>> -> memref<2048xf32, #tpu.memory_space<vmem_shared>>
        %dma_wait3A_834 = arith.constant 10240 : i32
        %dma_wait3A_835 = tpu.memref_slice %arg10[%dma_wait3A_834] : memref<32768xf32, #tpu.memory_space<vmem_shared>> -> memref<2048xf32, #tpu.memory_space<vmem_shared>>
        tpu.wait_dma2 semaphore(%run_scoped3A : memref<!tpu.dma_semaphore, #tpu.memory_space<semaphore_mem>>) src(%arg9 : memref<2048xf32, #tpu.memory_space<vmem>>) dst(%dma_wait3A_835 : memref<2048xf32, #tpu.memory_space<vmem_shared>>)
        tpu.yield
      }) : () -> ()
      "tpu.region"() ({
        %run_scoped3A = tpu.sem_alloc : memref<!tpu.dma_semaphore, #tpu.memory_space<semaphore_mem>>
        %dma_start3A = arith.constant 12288 : i32
        %dma_start3A_830 = tpu.memref_slice %arg10[%dma_start3A] : memref<32768xf32, #tpu.memory_space<vmem_shared>> -> memref<2048xf32, #tpu.memory_space<vmem_shared>>
        %dma_start3A_831 = arith.constant 12288 : i32
        %dma_start3A_832 = tpu.memref_slice %arg10[%dma_start3A_831] : memref<32768xf32, #tpu.memory_space<vmem_shared>> -> memref<2048xf32, #tpu.memory_space<vmem_shared>>
        tpu.enqueue_dma source(%arg9 : memref<2048xf32, #tpu.memory_space<vmem>>) target(%dma_start3A_832 : memref<2048xf32, #tpu.memory_space<vmem_shared>>) target_semaphore(%run_scoped3A : memref<!tpu.dma_semaphore, #tpu.memory_space<semaphore_mem>>)
        %dma_wait3A = arith.constant 12288 : i32
        %dma_wait3A_833 = tpu.memref_slice %arg10[%dma_wait3A] : memref<32768xf32, #tpu.memory_space<vmem_shared>> -> memref<2048xf32, #tpu.memory_space<vmem_shared>>
        %dma_wait3A_834 = arith.constant 12288 : i32
        %dma_wait3A_835 = tpu.memref_slice %arg10[%dma_wait3A_834] : memref<32768xf32, #tpu.memory_space<vmem_shared>> -> memref<2048xf32, #tpu.memory_space<vmem_shared>>
        tpu.wait_dma2 semaphore(%run_scoped3A : memref<!tpu.dma_semaphore, #tpu.memory_space<semaphore_mem>>) src(%arg9 : memref<2048xf32, #tpu.memory_space<vmem>>) dst(%dma_wait3A_835 : memref<2048xf32, #tpu.memory_space<vmem_shared>>)
        tpu.yield
      }) : () -> ()
      "tpu.region"() ({
        %run_scoped3A = tpu.sem_alloc : memref<!tpu.dma_semaphore, #tpu.memory_space<semaphore_mem>>
        %dma_start3A = arith.constant 14336 : i32
        %dma_start3A_830 = tpu.memref_slice %arg10[%dma_start3A] : memref<32768xf32, #tpu.memory_space<vmem_shared>> -> memref<2048xf32, #tpu.memory_space<vmem_shared>>
        %dma_start3A_831 = arith.constant 14336 : i32
        %dma_start3A_832 = tpu.memref_slice %arg10[%dma_start3A_831] : memref<32768xf32, #tpu.memory_space<vmem_shared>> -> memref<2048xf32, #tpu.memory_space<vmem_shared>>
        tpu.enqueue_dma source(%arg9 : memref<2048xf32, #tpu.memory_space<vmem>>) target(%dma_start3A_832 : memref<2048xf32, #tpu.memory_space<vmem_shared>>) target_semaphore(%run_scoped3A : memref<!tpu.dma_semaphore, #tpu.memory_space<semaphore_mem>>)
        %dma_wait3A = arith.constant 14336 : i32
        %dma_wait3A_833 = tpu.memref_slice %arg10[%dma_wait3A] : memref<32768xf32, #tpu.memory_space<vmem_shared>> -> memref<2048xf32, #tpu.memory_space<vmem_shared>>
        %dma_wait3A_834 = arith.constant 14336 : i32
        %dma_wait3A_835 = tpu.memref_slice %arg10[%dma_wait3A_834] : memref<32768xf32, #tpu.memory_space<vmem_shared>> -> memref<2048xf32, #tpu.memory_space<vmem_shared>>
        tpu.wait_dma2 semaphore(%run_scoped3A : memref<!tpu.dma_semaphore, #tpu.memory_space<semaphore_mem>>) src(%arg9 : memref<2048xf32, #tpu.memory_space<vmem>>) dst(%dma_wait3A_835 : memref<2048xf32, #tpu.memory_space<vmem_shared>>)
        tpu.yield
      }) : () -> ()
      "tpu.region"() ({
        %run_scoped3A = tpu.sem_alloc : memref<!tpu.dma_semaphore, #tpu.memory_space<semaphore_mem>>
        %dma_start3A = arith.constant 16384 : i32
        %dma_start3A_830 = tpu.memref_slice %arg10[%dma_start3A] : memref<32768xf32, #tpu.memory_space<vmem_shared>> -> memref<2048xf32, #tpu.memory_space<vmem_shared>>
        %dma_start3A_831 = arith.constant 16384 : i32
        %dma_start3A_832 = tpu.memref_slice %arg10[%dma_start3A_831] : memref<32768xf32, #tpu.memory_space<vmem_shared>> -> memref<2048xf32, #tpu.memory_space<vmem_shared>>
        tpu.enqueue_dma source(%arg9 : memref<2048xf32, #tpu.memory_space<vmem>>) target(%dma_start3A_832 : memref<2048xf32, #tpu.memory_space<vmem_shared>>) target_semaphore(%run_scoped3A : memref<!tpu.dma_semaphore, #tpu.memory_space<semaphore_mem>>)
        %dma_wait3A = arith.constant 16384 : i32
        %dma_wait3A_833 = tpu.memref_slice %arg10[%dma_wait3A] : memref<32768xf32, #tpu.memory_space<vmem_shared>> -> memref<2048xf32, #tpu.memory_space<vmem_shared>>
        %dma_wait3A_834 = arith.constant 16384 : i32
        %dma_wait3A_835 = tpu.memref_slice %arg10[%dma_wait3A_834] : memref<32768xf32, #tpu.memory_space<vmem_shared>> -> memref<2048xf32, #tpu.memory_space<vmem_shared>>
        tpu.wait_dma2 semaphore(%run_scoped3A : memref<!tpu.dma_semaphore, #tpu.memory_space<semaphore_mem>>) src(%arg9 : memref<2048xf32, #tpu.memory_space<vmem>>) dst(%dma_wait3A_835 : memref<2048xf32, #tpu.memory_space<vmem_shared>>)
        tpu.yield
      }) : () -> ()
      "tpu.region"() ({
        %run_scoped3A = tpu.sem_alloc : memref<!tpu.dma_semaphore, #tpu.memory_space<semaphore_mem>>
        %dma_start3A = arith.constant 18432 : i32
        %dma_start3A_830 = tpu.memref_slice %arg10[%dma_start3A] : memref<32768xf32, #tpu.memory_space<vmem_shared>> -> memref<2048xf32, #tpu.memory_space<vmem_shared>>
        %dma_start3A_831 = arith.constant 18432 : i32
        %dma_start3A_832 = tpu.memref_slice %arg10[%dma_start3A_831] : memref<32768xf32, #tpu.memory_space<vmem_shared>> -> memref<2048xf32, #tpu.memory_space<vmem_shared>>
        tpu.enqueue_dma source(%arg9 : memref<2048xf32, #tpu.memory_space<vmem>>) target(%dma_start3A_832 : memref<2048xf32, #tpu.memory_space<vmem_shared>>) target_semaphore(%run_scoped3A : memref<!tpu.dma_semaphore, #tpu.memory_space<semaphore_mem>>)
        %dma_wait3A = arith.constant 18432 : i32
        %dma_wait3A_833 = tpu.memref_slice %arg10[%dma_wait3A] : memref<32768xf32, #tpu.memory_space<vmem_shared>> -> memref<2048xf32, #tpu.memory_space<vmem_shared>>
        %dma_wait3A_834 = arith.constant 18432 : i32
        %dma_wait3A_835 = tpu.memref_slice %arg10[%dma_wait3A_834] : memref<32768xf32, #tpu.memory_space<vmem_shared>> -> memref<2048xf32, #tpu.memory_space<vmem_shared>>
        tpu.wait_dma2 semaphore(%run_scoped3A : memref<!tpu.dma_semaphore, #tpu.memory_space<semaphore_mem>>) src(%arg9 : memref<2048xf32, #tpu.memory_space<vmem>>) dst(%dma_wait3A_835 : memref<2048xf32, #tpu.memory_space<vmem_shared>>)
        tpu.yield
      }) : () -> ()
      "tpu.region"() ({
        %run_scoped3A = tpu.sem_alloc : memref<!tpu.dma_semaphore, #tpu.memory_space<semaphore_mem>>
        %dma_start3A = arith.constant 20480 : i32
        %dma_start3A_830 = tpu.memref_slice %arg10[%dma_start3A] : memref<32768xf32, #tpu.memory_space<vmem_shared>> -> memref<2048xf32, #tpu.memory_space<vmem_shared>>
        %dma_start3A_831 = arith.constant 20480 : i32
        %dma_start3A_832 = tpu.memref_slice %arg10[%dma_start3A_831] : memref<32768xf32, #tpu.memory_space<vmem_shared>> -> memref<2048xf32, #tpu.memory_space<vmem_shared>>
        tpu.enqueue_dma source(%arg9 : memref<2048xf32, #tpu.memory_space<vmem>>) target(%dma_start3A_832 : memref<2048xf32, #tpu.memory_space<vmem_shared>>) target_semaphore(%run_scoped3A : memref<!tpu.dma_semaphore, #tpu.memory_space<semaphore_mem>>)
        %dma_wait3A = arith.constant 20480 : i32
        %dma_wait3A_833 = tpu.memref_slice %arg10[%dma_wait3A] : memref<32768xf32, #tpu.memory_space<vmem_shared>> -> memref<2048xf32, #tpu.memory_space<vmem_shared>>
        %dma_wait3A_834 = arith.constant 20480 : i32
        %dma_wait3A_835 = tpu.memref_slice %arg10[%dma_wait3A_834] : memref<32768xf32, #tpu.memory_space<vmem_shared>> -> memref<2048xf32, #tpu.memory_space<vmem_shared>>
        tpu.wait_dma2 semaphore(%run_scoped3A : memref<!tpu.dma_semaphore, #tpu.memory_space<semaphore_mem>>) src(%arg9 : memref<2048xf32, #tpu.memory_space<vmem>>) dst(%dma_wait3A_835 : memref<2048xf32, #tpu.memory_space<vmem_shared>>)
        tpu.yield
      }) : () -> ()
      "tpu.region"() ({
        %run_scoped3A = tpu.sem_alloc : memref<!tpu.dma_semaphore, #tpu.memory_space<semaphore_mem>>
        %dma_start3A = arith.constant 22528 : i32
        %dma_start3A_830 = tpu.memref_slice %arg10[%dma_start3A] : memref<32768xf32, #tpu.memory_space<vmem_shared>> -> memref<2048xf32, #tpu.memory_space<vmem_shared>>
        %dma_start3A_831 = arith.constant 22528 : i32
        %dma_start3A_832 = tpu.memref_slice %arg10[%dma_start3A_831] : memref<32768xf32, #tpu.memory_space<vmem_shared>> -> memref<2048xf32, #tpu.memory_space<vmem_shared>>
        tpu.enqueue_dma source(%arg9 : memref<2048xf32, #tpu.memory_space<vmem>>) target(%dma_start3A_832 : memref<2048xf32, #tpu.memory_space<vmem_shared>>) target_semaphore(%run_scoped3A : memref<!tpu.dma_semaphore, #tpu.memory_space<semaphore_mem>>)
        %dma_wait3A = arith.constant 22528 : i32
        %dma_wait3A_833 = tpu.memref_slice %arg10[%dma_wait3A] : memref<32768xf32, #tpu.memory_space<vmem_shared>> -> memref<2048xf32, #tpu.memory_space<vmem_shared>>
        %dma_wait3A_834 = arith.constant 22528 : i32
        %dma_wait3A_835 = tpu.memref_slice %arg10[%dma_wait3A_834] : memref<32768xf32, #tpu.memory_space<vmem_shared>> -> memref<2048xf32, #tpu.memory_space<vmem_shared>>
        tpu.wait_dma2 semaphore(%run_scoped3A : memref<!tpu.dma_semaphore, #tpu.memory_space<semaphore_mem>>) src(%arg9 : memref<2048xf32, #tpu.memory_space<vmem>>) dst(%dma_wait3A_835 : memref<2048xf32, #tpu.memory_space<vmem_shared>>)
        tpu.yield
      }) : () -> ()
      "tpu.region"() ({
        %run_scoped3A = tpu.sem_alloc : memref<!tpu.dma_semaphore, #tpu.memory_space<semaphore_mem>>
        %dma_start3A = arith.constant 24576 : i32
        %dma_start3A_830 = tpu.memref_slice %arg10[%dma_start3A] : memref<32768xf32, #tpu.memory_space<vmem_shared>> -> memref<2048xf32, #tpu.memory_space<vmem_shared>>
        %dma_start3A_831 = arith.constant 24576 : i32
        %dma_start3A_832 = tpu.memref_slice %arg10[%dma_start3A_831] : memref<32768xf32, #tpu.memory_space<vmem_shared>> -> memref<2048xf32, #tpu.memory_space<vmem_shared>>
        tpu.enqueue_dma source(%arg9 : memref<2048xf32, #tpu.memory_space<vmem>>) target(%dma_start3A_832 : memref<2048xf32, #tpu.memory_space<vmem_shared>>) target_semaphore(%run_scoped3A : memref<!tpu.dma_semaphore, #tpu.memory_space<semaphore_mem>>)
        %dma_wait3A = arith.constant 24576 : i32
        %dma_wait3A_833 = tpu.memref_slice %arg10[%dma_wait3A] : memref<32768xf32, #tpu.memory_space<vmem_shared>> -> memref<2048xf32, #tpu.memory_space<vmem_shared>>
        %dma_wait3A_834 = arith.constant 24576 : i32
        %dma_wait3A_835 = tpu.memref_slice %arg10[%dma_wait3A_834] : memref<32768xf32, #tpu.memory_space<vmem_shared>> -> memref<2048xf32, #tpu.memory_space<vmem_shared>>
        tpu.wait_dma2 semaphore(%run_scoped3A : memref<!tpu.dma_semaphore, #tpu.memory_space<semaphore_mem>>) src(%arg9 : memref<2048xf32, #tpu.memory_space<vmem>>) dst(%dma_wait3A_835 : memref<2048xf32, #tpu.memory_space<vmem_shared>>)
        tpu.yield
      }) : () -> ()
      "tpu.region"() ({
        %run_scoped3A = tpu.sem_alloc : memref<!tpu.dma_semaphore, #tpu.memory_space<semaphore_mem>>
        %dma_start3A = arith.constant 26624 : i32
        %dma_start3A_830 = tpu.memref_slice %arg10[%dma_start3A] : memref<32768xf32, #tpu.memory_space<vmem_shared>> -> memref<2048xf32, #tpu.memory_space<vmem_shared>>
        %dma_start3A_831 = arith.constant 26624 : i32
        %dma_start3A_832 = tpu.memref_slice %arg10[%dma_start3A_831] : memref<32768xf32, #tpu.memory_space<vmem_shared>> -> memref<2048xf32, #tpu.memory_space<vmem_shared>>
        tpu.enqueue_dma source(%arg9 : memref<2048xf32, #tpu.memory_space<vmem>>) target(%dma_start3A_832 : memref<2048xf32, #tpu.memory_space<vmem_shared>>) target_semaphore(%run_scoped3A : memref<!tpu.dma_semaphore, #tpu.memory_space<semaphore_mem>>)
        %dma_wait3A = arith.constant 26624 : i32
        %dma_wait3A_833 = tpu.memref_slice %arg10[%dma_wait3A] : memref<32768xf32, #tpu.memory_space<vmem_shared>> -> memref<2048xf32, #tpu.memory_space<vmem_shared>>
        %dma_wait3A_834 = arith.constant 26624 : i32
        %dma_wait3A_835 = tpu.memref_slice %arg10[%dma_wait3A_834] : memref<32768xf32, #tpu.memory_space<vmem_shared>> -> memref<2048xf32, #tpu.memory_space<vmem_shared>>
        tpu.wait_dma2 semaphore(%run_scoped3A : memref<!tpu.dma_semaphore, #tpu.memory_space<semaphore_mem>>) src(%arg9 : memref<2048xf32, #tpu.memory_space<vmem>>) dst(%dma_wait3A_835 : memref<2048xf32, #tpu.memory_space<vmem_shared>>)
        tpu.yield
      }) : () -> ()
      "tpu.region"() ({
        %run_scoped3A = tpu.sem_alloc : memref<!tpu.dma_semaphore, #tpu.memory_space<semaphore_mem>>
        %dma_start3A = arith.constant 28672 : i32
        %dma_start3A_830 = tpu.memref_slice %arg10[%dma_start3A] : memref<32768xf32, #tpu.memory_space<vmem_shared>> -> memref<2048xf32, #tpu.memory_space<vmem_shared>>
        %dma_start3A_831 = arith.constant 28672 : i32
        %dma_start3A_832 = tpu.memref_slice %arg10[%dma_start3A_831] : memref<32768xf32, #tpu.memory_space<vmem_shared>> -> memref<2048xf32, #tpu.memory_space<vmem_shared>>
        tpu.enqueue_dma source(%arg9 : memref<2048xf32, #tpu.memory_space<vmem>>) target(%dma_start3A_832 : memref<2048xf32, #tpu.memory_space<vmem_shared>>) target_semaphore(%run_scoped3A : memref<!tpu.dma_semaphore, #tpu.memory_space<semaphore_mem>>)
        %dma_wait3A = arith.constant 28672 : i32
        %dma_wait3A_833 = tpu.memref_slice %arg10[%dma_wait3A] : memref<32768xf32, #tpu.memory_space<vmem_shared>> -> memref<2048xf32, #tpu.memory_space<vmem_shared>>
        %dma_wait3A_834 = arith.constant 28672 : i32
        %dma_wait3A_835 = tpu.memref_slice %arg10[%dma_wait3A_834] : memref<32768xf32, #tpu.memory_space<vmem_shared>> -> memref<2048xf32, #tpu.memory_space<vmem_shared>>
        tpu.wait_dma2 semaphore(%run_scoped3A : memref<!tpu.dma_semaphore, #tpu.memory_space<semaphore_mem>>) src(%arg9 : memref<2048xf32, #tpu.memory_space<vmem>>) dst(%dma_wait3A_835 : memref<2048xf32, #tpu.memory_space<vmem_shared>>)
        tpu.yield
      }) : () -> ()
      "tpu.region"() ({
        %run_scoped3A = tpu.sem_alloc : memref<!tpu.dma_semaphore, #tpu.memory_space<semaphore_mem>>
        %dma_start3A = arith.constant 30720 : i32
        %dma_start3A_830 = tpu.memref_slice %arg10[%dma_start3A] : memref<32768xf32, #tpu.memory_space<vmem_shared>> -> memref<2048xf32, #tpu.memory_space<vmem_shared>>
        %dma_start3A_831 = arith.constant 30720 : i32
        %dma_start3A_832 = tpu.memref_slice %arg10[%dma_start3A_831] : memref<32768xf32, #tpu.memory_space<vmem_shared>> -> memref<2048xf32, #tpu.memory_space<vmem_shared>>
        tpu.enqueue_dma source(%arg9 : memref<2048xf32, #tpu.memory_space<vmem>>) target(%dma_start3A_832 : memref<2048xf32, #tpu.memory_space<vmem_shared>>) target_semaphore(%run_scoped3A : memref<!tpu.dma_semaphore, #tpu.memory_space<semaphore_mem>>)
        %dma_wait3A = arith.constant 30720 : i32
        %dma_wait3A_833 = tpu.memref_slice %arg10[%dma_wait3A] : memref<32768xf32, #tpu.memory_space<vmem_shared>> -> memref<2048xf32, #tpu.memory_space<vmem_shared>>
        %dma_wait3A_834 = arith.constant 30720 : i32
        %dma_wait3A_835 = tpu.memref_slice %arg10[%dma_wait3A_834] : memref<32768xf32, #tpu.memory_space<vmem_shared>> -> memref<2048xf32, #tpu.memory_space<vmem_shared>>
        tpu.wait_dma2 semaphore(%run_scoped3A : memref<!tpu.dma_semaphore, #tpu.memory_space<semaphore_mem>>) src(%arg9 : memref<2048xf32, #tpu.memory_space<vmem>>) dst(%dma_wait3A_835 : memref<2048xf32, #tpu.memory_space<vmem_shared>>)
        tpu.yield
      }) : () -> ()
    } else {
    }
    %barrier3A = arith.constant 0 : index
    tpu.barrier barrier_id(%barrier3A)
    %scan3A = arith.constant 0 : i32
    %scan3A_51 = arith.constant 0 : i32
    %scan3A_52 = arith.constant 64 : i32
    %scan3A_53 = arith.addi %scan3A_51, %scan3A_52 : i32
    %scan3A_54 = arith.constant 1 : i32
    scf.for %scan3A_62 = %scan3A_51 to %scan3A_53 step %scan3A_54  : i32 {
      %mul3A_63 = arith.constant 128 : i32
      %mul3A_64 = arith.muli %scan3A_62, %mul3A_63 : i32
      %add3A_65 = arith.addi %mul3A_2, %mul3A_64 : i32
      "tpu.region"() ({
        %run_scoped3A = tpu.sem_alloc : memref<!tpu.dma_semaphore, #tpu.memory_space<semaphore_mem>>
        %dma_start3A_70 = tpu.memref_slice %arg3[%add3A_65] : memref<262144xi32, #tpu.memory_space<hbm>> -> memref<128xi32, #tpu.memory_space<hbm>>
        %dma_start3A_71 = tpu.memref_slice %arg3[%add3A_65] : memref<262144xi32, #tpu.memory_space<hbm>> -> memref<128xi32, #tpu.memory_space<hbm>>
        tpu.enqueue_dma source(%dma_start3A_71 : memref<128xi32, #tpu.memory_space<hbm>>) target(%arg6 : memref<128xi32, #tpu.memory_space<vmem>>) target_semaphore(%run_scoped3A : memref<!tpu.dma_semaphore, #tpu.memory_space<semaphore_mem>>)
        %dma_wait3A_72 = tpu.memref_slice %arg3[%add3A_65] : memref<262144xi32, #tpu.memory_space<hbm>> -> memref<128xi32, #tpu.memory_space<hbm>>
        %dma_wait3A_73 = tpu.memref_slice %arg3[%add3A_65] : memref<262144xi32, #tpu.memory_space<hbm>> -> memref<128xi32, #tpu.memory_space<hbm>>
        tpu.wait_dma2 semaphore(%run_scoped3A : memref<!tpu.dma_semaphore, #tpu.memory_space<semaphore_mem>>) src(%dma_wait3A_73 : memref<128xi32, #tpu.memory_space<hbm>>) dst(%arg6 : memref<128xi32, #tpu.memory_space<vmem>>)
        tpu.yield
      }) : () -> ()
      %dma_start3A = arith.constant 0 : i32
      %dma_start3A_66 = arith.constant 0 : i32
      %dma_start3A_67 = tpu.memref_slice %arg2[%dma_start3A, %dma_start3A_66] : memref<32768x128xf32, #tpu.memory_space<hbm>> -> memref<32768x128xf32, #tpu.memory_space<hbm>>
      tpu.enqueue_indirect_dma source(%dma_start3A_67 : memref<32768x128xf32, #tpu.memory_space<hbm>>) target(%arg7 : memref<128x128xf32, #tpu.memory_space<vmem>>) offsets(%arg6 : memref<128xi32, #tpu.memory_space<vmem>>) semaphore(%arg11 : memref<!tpu.dma_semaphore, #tpu.memory_space<semaphore_mem>>)
      %dma_wait3A = arith.constant 0 : i32
      %dma_wait3A_68 = arith.constant 0 : i32
      %dma_wait3A_69 = tpu.memref_slice %arg2[%dma_wait3A, %dma_wait3A_68] : memref<32768x128xf32, #tpu.memory_space<hbm>> -> memref<32768x128xf32, #tpu.memory_space<hbm>>
      tpu.wait_indirect_dma semaphore(%arg11 : memref<!tpu.dma_semaphore, #tpu.memory_space<semaphore_mem>>) src(%dma_wait3A_69 : memref<32768x128xf32, #tpu.memory_space<hbm>>) dst(%arg7 : memref<128x128xf32, #tpu.memory_space<vmem>>)
      "tpu.region"() ({
        %run_scoped3A = tpu.sem_alloc : memref<!tpu.dma_semaphore, #tpu.memory_space<semaphore_mem>>
        %dma_start3A_70 = arith.constant 0 : i32
        %dma_start3A_71 = tpu.memref_slice %arg4[%add3A_65, %dma_start3A_70] : memref<262144x128xf32, #tpu.memory_space<hbm>> -> memref<128x128xf32, #tpu.memory_space<hbm>>
        %dma_start3A_72 = arith.constant 0 : i32
        %dma_start3A_73 = tpu.memref_slice %arg4[%add3A_65, %dma_start3A_72] : memref<262144x128xf32, #tpu.memory_space<hbm>> -> memref<128x128xf32, #tpu.memory_space<hbm>>
        tpu.enqueue_dma source(%arg7 : memref<128x128xf32, #tpu.memory_space<vmem>>) target(%dma_start3A_73 : memref<128x128xf32, #tpu.memory_space<hbm>>) target_semaphore(%run_scoped3A : memref<!tpu.dma_semaphore, #tpu.memory_space<semaphore_mem>>)
        %dma_wait3A_74 = arith.constant 0 : i32
        %dma_wait3A_75 = tpu.memref_slice %arg4[%add3A_65, %dma_wait3A_74] : memref<262144x128xf32, #tpu.memory_space<hbm>> -> memref<128x128xf32, #tpu.memory_space<hbm>>
        %dma_wait3A_76 = arith.constant 0 : i32
        %dma_wait3A_77 = tpu.memref_slice %arg4[%add3A_65, %dma_wait3A_76] : memref<262144x128xf32, #tpu.memory_space<hbm>> -> memref<128x128xf32, #tpu.memory_space<hbm>>
        tpu.wait_dma2 semaphore(%run_scoped3A : memref<!tpu.dma_semaphore, #tpu.memory_space<semaphore_mem>>) src(%arg7 : memref<128x128xf32, #tpu.memory_space<vmem>>) dst(%dma_wait3A_77 : memref<128x128xf32, #tpu.memory_space<hbm>>)
        tpu.yield
      }) : () -> ()
      "tpu.region"() ({
        %run_scoped3A = tpu.sem_alloc : memref<!tpu.dma_semaphore, #tpu.memory_space<semaphore_mem>>
        %dma_start3A_70 = arith.constant 0 : i32
        %dma_start3A_71 = tpu.memref_slice %arg10[%dma_start3A_70] : memref<32768xf32, #tpu.memory_space<vmem_shared>> -> memref<32768xf32, #tpu.memory_space<vmem_shared>>
        tpu.enqueue_indirect_dma source(%arg8 : memref<128xf32, #tpu.memory_space<vmem>>) target(%dma_start3A_71 : memref<32768xf32, #tpu.memory_space<vmem_shared>>) offsets(%arg6 : memref<128xi32, #tpu.memory_space<vmem>>) semaphore(%run_scoped3A : memref<!tpu.dma_semaphore, #tpu.memory_space<semaphore_mem>>) {add = true}
        %dma_wait3A_72 = arith.constant 0 : i32
        %dma_wait3A_73 = tpu.memref_slice %arg10[%dma_wait3A_72] : memref<32768xf32, #tpu.memory_space<vmem_shared>> -> memref<32768xf32, #tpu.memory_space<vmem_shared>>
        tpu.wait_indirect_dma semaphore(%run_scoped3A : memref<!tpu.dma_semaphore, #tpu.memory_space<semaphore_mem>>) src(%arg8 : memref<128xf32, #tpu.memory_space<vmem>>) dst(%dma_wait3A_73 : memref<32768xf32, #tpu.memory_space<vmem_shared>>)
        tpu.yield
      }) : () -> ()
    }
    %scan3A_55 = arith.constant 64 : i32
    %barrier3A_56 = arith.constant 0 : index
    tpu.barrier barrier_id(%barrier3A_56)
    %eq3A_57 = arith.constant 0 : i32
    %eq3A_58 = arith.cmpi eq, %arg1, %eq3A_57 : i32
    %convert_element_type3A_59 = arith.extui %eq3A_58 : i1 to i32
    %cond3A_60 = arith.constant 0 : i32
    %cond3A_61 = arith.cmpi ne, %convert_element_type3A_59, %cond3A_60 : i32
    scf.if %cond3A_61 {
      "tpu.region"() ({
        %run_scoped3A = tpu.sem_alloc : memref<!tpu.dma_semaphore, #tpu.memory_space<semaphore_mem>>
        %dma_start3A = arith.constant 0 : i32
        %dma_start3A_62 = tpu.memref_slice %arg5[%arg0, %dma_start3A] : memref<2x32768xf32, #tpu.memory_space<hbm>> -> memref<1x32768xf32, #tpu.memory_space<hbm>>
        %dma_start3A_63 = tpu.memref_squeeze %dma_start3A_62 : memref<1x32768xf32, #tpu.memory_space<hbm>> -> memref<32768xf32, #tpu.memory_space<hbm>>
        tpu.enqueue_dma source(%arg10 : memref<32768xf32, #tpu.memory_space<vmem_shared>>) target(%dma_start3A_63 : memref<32768xf32, #tpu.memory_space<hbm>>) target_semaphore(%run_scoped3A : memref<!tpu.dma_semaphore, #tpu.memory_space<semaphore_mem>>)
        %dma_wait3A = arith.constant 0 : i32
        %dma_wait3A_64 = tpu.memref_slice %arg5[%arg0, %dma_wait3A] : memref<2x32768xf32, #tpu.memory_space<hbm>> -> memref<1x32768xf32, #tpu.memory_space<hbm>>
        %dma_wait3A_65 = tpu.memref_squeeze %dma_wait3A_64 : memref<1x32768xf32, #tpu.memory_space<hbm>> -> memref<32768xf32, #tpu.memory_space<hbm>>
        tpu.wait_dma2 semaphore(%run_scoped3A : memref<!tpu.dma_semaphore, #tpu.memory_space<semaphore_mem>>) src(%arg10 : memref<32768xf32, #tpu.memory_space<vmem_shared>>) dst(%dma_wait3A_65 : memref<32768xf32, #tpu.memory_space<hbm>>)
        tpu.yield
      }) : () -> ()
    } else {
    }
    return
  }
}

module attributes {stable_mosaic.version = 14 : i64} {
  func.func @_argmin_body(%arg0: i32, %arg1: i32, %arg2: memref<1x8192x64xf32, #tpu.memory_space<vmem>>, %arg3: memref<1x1x64x1024xf32, #tpu.memory_space<vmem>>, %arg4: memref<1x1x1x1024xi32, #tpu.memory_space<vmem>>, %arg5: memref<1x1x1x1024xi32, #tpu.memory_space<vmem>>, %arg6: memref<8192x1xf32, #tpu.memory_space<vmem>>) attributes {dimension_semantics = [#tpu.dimension_semantics<arbitrary>, #tpu.dimension_semantics<arbitrary>], iteration_bounds = array<i64: 4, 64>, scalar_prefetch = 0 : i64, scratch_operands = 1 : i64, tpu.core_type = #tpu.core_type<tc>, window_params = [{transform_indices = @transform_0, window_bounds = array<i64: 1, 8192, 64>}, {transform_indices = @transform_1, window_bounds = array<i64: 1, 1, 64, 1024>}, {transform_indices = @transform_2, window_bounds = array<i64: 1, 1, 1, 1024>}, {transform_indices = @transform_3, window_bounds = array<i64: 1, 1, 1, 1024>}]} {
    %eq3A = arith.constant 0 : i32
    %eq3A_0 = arith.cmpi eq, %arg1, %eq3A : i32
    %convert_element_type3A = arith.extui %eq3A_0 : i1 to i32
    %cond3A = arith.constant 0 : i32
    %cond3A_1 = arith.cmpi ne, %convert_element_type3A, %cond3A : i32
    scf.if %cond3A_1 {
      %get3A_252 = arith.constant 0 : index
      %get3A_253 = arith.constant 0 : index
      %get3A_254 = arith.constant 0 : index
      %get3A_255 = vector.load %arg2[%get3A_252, %get3A_253, %get3A_254] : memref<1x8192x64xf32, #tpu.memory_space<vmem>>, vector<1x8192x64xf32>
      %get3A_256 = vector.shape_cast %get3A_255 : vector<1x8192x64xf32> to vector<8192x64xf32>
      %mul3A_257 = arith.mulf %get3A_256, %get3A_256 : vector<8192x64xf32>
      %reduce_sum3A = arith.constant dense<0.000000e+00> : vector<8192xf32>
      %reduce_sum3A_258 = vector.multi_reduction <add>, %mul3A_257, %reduce_sum3A [1] : vector<8192x64xf32> to vector<8192xf32>
      %broadcast_in_dim3A_259 = vector.shape_cast %reduce_sum3A_258 : vector<8192xf32> to vector<8192x1xf32>
      %swap3A_260 = arith.constant 0 : index
      %swap3A_261 = arith.constant 0 : index
      %swap3A_262 = vector.load %arg6[%swap3A_260, %swap3A_261] : memref<8192x1xf32, #tpu.memory_space<vmem>>, vector<8192x1xf32>
      tpu.vector_store %arg6[%swap3A_260, %swap3A_261], %broadcast_in_dim3A_259 {strides = array<i32>} : memref<8192x1xf32, #tpu.memory_space<vmem>>, vector<8192x1xf32>,
    } else {
    }
    %get3A = arith.constant 0 : index
    %get3A_2 = arith.constant 0 : index
    %get3A_3 = arith.constant 0 : index
    %get3A_4 = arith.constant 0 : index
    %get3A_5 = vector.load %arg3[%get3A, %get3A_2, %get3A_3, %get3A_4] : memref<1x1x64x1024xf32, #tpu.memory_space<vmem>>, vector<1x1x64x1024xf32>
    %get3A_6 = vector.shape_cast %get3A_5 : vector<1x1x64x1024xf32> to vector<64x1024xf32>
    %mul3A = arith.constant -2.000000e+00 : f32
    %mul3A_7 = vector.broadcast %mul3A : f32 to vector<64x1024xf32>
    %mul3A_8 = arith.mulf %mul3A_7, %get3A_6 : vector<64x1024xf32>
    %broadcast_in_dim3A = arith.constant 0x7F800000 : f32
    %broadcast_in_dim3A_9 = vector.broadcast %broadcast_in_dim3A : f32 to vector<1024xf32>
    %broadcast_in_dim3A_10 = arith.constant 0 : i32
    %broadcast_in_dim3A_11 = vector.broadcast %broadcast_in_dim3A_10 : i32 to vector<1024xi32>
    %get3A_12 = arith.constant 0 : index
    %get3A_13 = arith.constant 0 : index
    %get3A_14 = arith.constant 0 : index
    %get3A_15 = vector.load %arg2[%get3A_12, %get3A_13, %get3A_14] : memref<1x8192x64xf32, #tpu.memory_space<vmem>>, vector<1x1024x64xf32>
    %get3A_16 = vector.shape_cast %get3A_15 : vector<1x1024x64xf32> to vector<1024x64xf32>
    %get3A_17 = arith.constant 0 : index
    %get3A_18 = arith.constant 0 : index
    %get3A_19 = vector.load %arg6[%get3A_17, %get3A_18] : memref<8192x1xf32, #tpu.memory_space<vmem>>, vector<1024x1xf32>
    %dot_general3A = arith.constant dense<0.000000e+00> : vector<1024x1024xf32>
    %dot_general3A_20 = tpu.matmul %get3A_16, %mul3A_8, %dot_general3A {dimension_numbers = #tpu.dot_dimension_numbers<[1], [0], [0], [1], [0, 0, 1, 1], [], []>, transpose_lhs_hint = false} : vector<1024x64xf32>, vector<64x1024xf32>, vector<1024x1024xf32> -> vector<1024x1024xf32>
    %add3A = vector.broadcast %get3A_19 : vector<1024x1xf32> to vector<1024x1024xf32>
    %add3A_21 = arith.addf %dot_general3A_20, %add3A : vector<1024x1024xf32>
    %reduce_min3A = arith.constant dense<0x7F800000> : vector<1024xf32>
    %reduce_min3A_22 = vector.multi_reduction <minimumf>, %add3A_21, %reduce_min3A [0] : vector<1024x1024xf32> to vector<1024xf32>
    %broadcast_in_dim3A_23 = vector.shape_cast %reduce_min3A_22 : vector<1024xf32> to vector<1x1024xf32>
    %le3A = vector.broadcast %broadcast_in_dim3A_23 : vector<1x1024xf32> to vector<1024x1024xf32>
    %le3A_24 = arith.cmpf ole, %add3A_21, %le3A : vector<1024x1024xf32>
    %iota3A = tpu.iota {dimensions = array<i32: 0>} : vector<1024x1024xi32>
    %jit3A = arith.constant 1073741824 : i32
    %broadcast_in_dim3A_25 = vector.broadcast %jit3A : i32 to vector<1024x1024xi32>
    %select_n3A = arith.select %le3A_24, %iota3A, %broadcast_in_dim3A_25 : vector<1024x1024xi1>, vector<1024x1024xi32>
    %reduce_min3A_26 = arith.constant dense<2147483647> : vector<1024xi32>
    %reduce_min3A_27 = vector.multi_reduction <minsi>, %select_n3A, %reduce_min3A_26 [0] : vector<1024x1024xi32> to vector<1024xi32>
    %add3A_28 = arith.constant 0 : i32
    %add3A_29 = vector.broadcast %add3A_28 : i32 to vector<1024xi32>
    %add3A_30 = arith.addi %reduce_min3A_27, %add3A_29 : vector<1024xi32>
    %lt3A = arith.cmpf olt, %reduce_min3A_22, %broadcast_in_dim3A_9 : vector<1024xf32>
    %select_n3A_31 = arith.select %lt3A, %add3A_30, %broadcast_in_dim3A_11 : vector<1024xi1>, vector<1024xi32>
    %select_n3A_32 = arith.select %lt3A, %reduce_min3A_22, %broadcast_in_dim3A_9 : vector<1024xi1>, vector<1024xf32>
    %get3A_33 = arith.constant 0 : index
    %get3A_34 = arith.constant 1024 : index
    %get3A_35 = arith.constant 0 : index
    %get3A_36 = vector.load %arg2[%get3A_33, %get3A_34, %get3A_35] : memref<1x8192x64xf32, #tpu.memory_space<vmem>>, vector<1x1024x64xf32>
    %get3A_37 = vector.shape_cast %get3A_36 : vector<1x1024x64xf32> to vector<1024x64xf32>
    %get3A_38 = arith.constant 1024 : index
    %get3A_39 = arith.constant 0 : index
    %get3A_40 = vector.load %arg6[%get3A_38, %get3A_39] : memref<8192x1xf32, #tpu.memory_space<vmem>>, vector<1024x1xf32>
    %dot_general3A_41 = arith.constant dense<0.000000e+00> : vector<1024x1024xf32>
    %dot_general3A_42 = tpu.matmul %get3A_37, %mul3A_8, %dot_general3A_41 {dimension_numbers = #tpu.dot_dimension_numbers<[1], [0], [0], [1], [0, 0, 1, 1], [], []>, transpose_lhs_hint = false} : vector<1024x64xf32>, vector<64x1024xf32>, vector<1024x1024xf32> -> vector<1024x1024xf32>
    %add3A_43 = vector.broadcast %get3A_40 : vector<1024x1xf32> to vector<1024x1024xf32>
    %add3A_44 = arith.addf %dot_general3A_42, %add3A_43 : vector<1024x1024xf32>
    %reduce_min3A_45 = arith.constant dense<0x7F800000> : vector<1024xf32>
    %reduce_min3A_46 = vector.multi_reduction <minimumf>, %add3A_44, %reduce_min3A_45 [0] : vector<1024x1024xf32> to vector<1024xf32>
    %broadcast_in_dim3A_47 = vector.shape_cast %reduce_min3A_46 : vector<1024xf32> to vector<1x1024xf32>
    %le3A_48 = vector.broadcast %broadcast_in_dim3A_47 : vector<1x1024xf32> to vector<1024x1024xf32>
    %le3A_49 = arith.cmpf ole, %add3A_44, %le3A_48 : vector<1024x1024xf32>
    %iota3A_50 = tpu.iota {dimensions = array<i32: 0>} : vector<1024x1024xi32>
    %jit3A_51 = arith.constant 1073741824 : i32
    %broadcast_in_dim3A_52 = vector.broadcast %jit3A_51 : i32 to vector<1024x1024xi32>
    %select_n3A_53 = arith.select %le3A_49, %iota3A_50, %broadcast_in_dim3A_52 : vector<1024x1024xi1>, vector<1024x1024xi32>
    %reduce_min3A_54 = arith.constant dense<2147483647> : vector<1024xi32>
    %reduce_min3A_55 = vector.multi_reduction <minsi>, %select_n3A_53, %reduce_min3A_54 [0] : vector<1024x1024xi32> to vector<1024xi32>
    %add3A_56 = arith.constant 1024 : i32
    %add3A_57 = vector.broadcast %add3A_56 : i32 to vector<1024xi32>
    %add3A_58 = arith.addi %reduce_min3A_55, %add3A_57 : vector<1024xi32>
    %lt3A_59 = arith.cmpf olt, %reduce_min3A_46, %select_n3A_32 : vector<1024xf32>
    %select_n3A_60 = arith.select %lt3A_59, %add3A_58, %select_n3A_31 : vector<1024xi1>, vector<1024xi32>
    %select_n3A_61 = arith.select %lt3A_59, %reduce_min3A_46, %select_n3A_32 : vector<1024xi1>, vector<1024xf32>
    %get3A_62 = arith.constant 0 : index
    %get3A_63 = arith.constant 2048 : index
    %get3A_64 = arith.constant 0 : index
    %get3A_65 = vector.load %arg2[%get3A_62, %get3A_63, %get3A_64] : memref<1x8192x64xf32, #tpu.memory_space<vmem>>, vector<1x1024x64xf32>
    %get3A_66 = vector.shape_cast %get3A_65 : vector<1x1024x64xf32> to vector<1024x64xf32>
    %get3A_67 = arith.constant 2048 : index
    %get3A_68 = arith.constant 0 : index
    %get3A_69 = vector.load %arg6[%get3A_67, %get3A_68] : memref<8192x1xf32, #tpu.memory_space<vmem>>, vector<1024x1xf32>
    %dot_general3A_70 = arith.constant dense<0.000000e+00> : vector<1024x1024xf32>
    %dot_general3A_71 = tpu.matmul %get3A_66, %mul3A_8, %dot_general3A_70 {dimension_numbers = #tpu.dot_dimension_numbers<[1], [0], [0], [1], [0, 0, 1, 1], [], []>, transpose_lhs_hint = false} : vector<1024x64xf32>, vector<64x1024xf32>, vector<1024x1024xf32> -> vector<1024x1024xf32>
    %add3A_72 = vector.broadcast %get3A_69 : vector<1024x1xf32> to vector<1024x1024xf32>
    %add3A_73 = arith.addf %dot_general3A_71, %add3A_72 : vector<1024x1024xf32>
    %reduce_min3A_74 = arith.constant dense<0x7F800000> : vector<1024xf32>
    %reduce_min3A_75 = vector.multi_reduction <minimumf>, %add3A_73, %reduce_min3A_74 [0] : vector<1024x1024xf32> to vector<1024xf32>
    %broadcast_in_dim3A_76 = vector.shape_cast %reduce_min3A_75 : vector<1024xf32> to vector<1x1024xf32>
    %le3A_77 = vector.broadcast %broadcast_in_dim3A_76 : vector<1x1024xf32> to vector<1024x1024xf32>
    %le3A_78 = arith.cmpf ole, %add3A_73, %le3A_77 : vector<1024x1024xf32>
    %iota3A_79 = tpu.iota {dimensions = array<i32: 0>} : vector<1024x1024xi32>
    %jit3A_80 = arith.constant 1073741824 : i32
    %broadcast_in_dim3A_81 = vector.broadcast %jit3A_80 : i32 to vector<1024x1024xi32>
    %select_n3A_82 = arith.select %le3A_78, %iota3A_79, %broadcast_in_dim3A_81 : vector<1024x1024xi1>, vector<1024x1024xi32>
    %reduce_min3A_83 = arith.constant dense<2147483647> : vector<1024xi32>
    %reduce_min3A_84 = vector.multi_reduction <minsi>, %select_n3A_82, %reduce_min3A_83 [0] : vector<1024x1024xi32> to vector<1024xi32>
    %add3A_85 = arith.constant 2048 : i32
    %add3A_86 = vector.broadcast %add3A_85 : i32 to vector<1024xi32>
    %add3A_87 = arith.addi %reduce_min3A_84, %add3A_86 : vector<1024xi32>
    %lt3A_88 = arith.cmpf olt, %reduce_min3A_75, %select_n3A_61 : vector<1024xf32>
    %select_n3A_89 = arith.select %lt3A_88, %add3A_87, %select_n3A_60 : vector<1024xi1>, vector<1024xi32>
    %select_n3A_90 = arith.select %lt3A_88, %reduce_min3A_75, %select_n3A_61 : vector<1024xi1>, vector<1024xf32>
    %get3A_91 = arith.constant 0 : index
    %get3A_92 = arith.constant 3072 : index
    %get3A_93 = arith.constant 0 : index
    %get3A_94 = vector.load %arg2[%get3A_91, %get3A_92, %get3A_93] : memref<1x8192x64xf32, #tpu.memory_space<vmem>>, vector<1x1024x64xf32>
    %get3A_95 = vector.shape_cast %get3A_94 : vector<1x1024x64xf32> to vector<1024x64xf32>
    %get3A_96 = arith.constant 3072 : index
    %get3A_97 = arith.constant 0 : index
    %get3A_98 = vector.load %arg6[%get3A_96, %get3A_97] : memref<8192x1xf32, #tpu.memory_space<vmem>>, vector<1024x1xf32>
    %dot_general3A_99 = arith.constant dense<0.000000e+00> : vector<1024x1024xf32>
    %dot_general3A_100 = tpu.matmul %get3A_95, %mul3A_8, %dot_general3A_99 {dimension_numbers = #tpu.dot_dimension_numbers<[1], [0], [0], [1], [0, 0, 1, 1], [], []>, transpose_lhs_hint = false} : vector<1024x64xf32>, vector<64x1024xf32>, vector<1024x1024xf32> -> vector<1024x1024xf32>
    %add3A_101 = vector.broadcast %get3A_98 : vector<1024x1xf32> to vector<1024x1024xf32>
    %add3A_102 = arith.addf %dot_general3A_100, %add3A_101 : vector<1024x1024xf32>
    %reduce_min3A_103 = arith.constant dense<0x7F800000> : vector<1024xf32>
    %reduce_min3A_104 = vector.multi_reduction <minimumf>, %add3A_102, %reduce_min3A_103 [0] : vector<1024x1024xf32> to vector<1024xf32>
    %broadcast_in_dim3A_105 = vector.shape_cast %reduce_min3A_104 : vector<1024xf32> to vector<1x1024xf32>
    %le3A_106 = vector.broadcast %broadcast_in_dim3A_105 : vector<1x1024xf32> to vector<1024x1024xf32>
    %le3A_107 = arith.cmpf ole, %add3A_102, %le3A_106 : vector<1024x1024xf32>
    %iota3A_108 = tpu.iota {dimensions = array<i32: 0>} : vector<1024x1024xi32>
    %jit3A_109 = arith.constant 1073741824 : i32
    %broadcast_in_dim3A_110 = vector.broadcast %jit3A_109 : i32 to vector<1024x1024xi32>
    %select_n3A_111 = arith.select %le3A_107, %iota3A_108, %broadcast_in_dim3A_110 : vector<1024x1024xi1>, vector<1024x1024xi32>
    %reduce_min3A_112 = arith.constant dense<2147483647> : vector<1024xi32>
    %reduce_min3A_113 = vector.multi_reduction <minsi>, %select_n3A_111, %reduce_min3A_112 [0] : vector<1024x1024xi32> to vector<1024xi32>
    %add3A_114 = arith.constant 3072 : i32
    %add3A_115 = vector.broadcast %add3A_114 : i32 to vector<1024xi32>
    %add3A_116 = arith.addi %reduce_min3A_113, %add3A_115 : vector<1024xi32>
    %lt3A_117 = arith.cmpf olt, %reduce_min3A_104, %select_n3A_90 : vector<1024xf32>
    %select_n3A_118 = arith.select %lt3A_117, %add3A_116, %select_n3A_89 : vector<1024xi1>, vector<1024xi32>
    %select_n3A_119 = arith.select %lt3A_117, %reduce_min3A_104, %select_n3A_90 : vector<1024xi1>, vector<1024xf32>
    %get3A_120 = arith.constant 0 : index
    %get3A_121 = arith.constant 4096 : index
    %get3A_122 = arith.constant 0 : index
    %get3A_123 = vector.load %arg2[%get3A_120, %get3A_121, %get3A_122] : memref<1x8192x64xf32, #tpu.memory_space<vmem>>, vector<1x1024x64xf32>
    %get3A_124 = vector.shape_cast %get3A_123 : vector<1x1024x64xf32> to vector<1024x64xf32>
    %get3A_125 = arith.constant 4096 : index
    %get3A_126 = arith.constant 0 : index
    %get3A_127 = vector.load %arg6[%get3A_125, %get3A_126] : memref<8192x1xf32, #tpu.memory_space<vmem>>, vector<1024x1xf32>
    %dot_general3A_128 = arith.constant dense<0.000000e+00> : vector<1024x1024xf32>
    %dot_general3A_129 = tpu.matmul %get3A_124, %mul3A_8, %dot_general3A_128 {dimension_numbers = #tpu.dot_dimension_numbers<[1], [0], [0], [1], [0, 0, 1, 1], [], []>, transpose_lhs_hint = false} : vector<1024x64xf32>, vector<64x1024xf32>, vector<1024x1024xf32> -> vector<1024x1024xf32>
    %add3A_130 = vector.broadcast %get3A_127 : vector<1024x1xf32> to vector<1024x1024xf32>
    %add3A_131 = arith.addf %dot_general3A_129, %add3A_130 : vector<1024x1024xf32>
    %reduce_min3A_132 = arith.constant dense<0x7F800000> : vector<1024xf32>
    %reduce_min3A_133 = vector.multi_reduction <minimumf>, %add3A_131, %reduce_min3A_132 [0] : vector<1024x1024xf32> to vector<1024xf32>
    %broadcast_in_dim3A_134 = vector.shape_cast %reduce_min3A_133 : vector<1024xf32> to vector<1x1024xf32>
    %le3A_135 = vector.broadcast %broadcast_in_dim3A_134 : vector<1x1024xf32> to vector<1024x1024xf32>
    %le3A_136 = arith.cmpf ole, %add3A_131, %le3A_135 : vector<1024x1024xf32>
    %iota3A_137 = tpu.iota {dimensions = array<i32: 0>} : vector<1024x1024xi32>
    %jit3A_138 = arith.constant 1073741824 : i32
    %broadcast_in_dim3A_139 = vector.broadcast %jit3A_138 : i32 to vector<1024x1024xi32>
    %select_n3A_140 = arith.select %le3A_136, %iota3A_137, %broadcast_in_dim3A_139 : vector<1024x1024xi1>, vector<1024x1024xi32>
    %reduce_min3A_141 = arith.constant dense<2147483647> : vector<1024xi32>
    %reduce_min3A_142 = vector.multi_reduction <minsi>, %select_n3A_140, %reduce_min3A_141 [0] : vector<1024x1024xi32> to vector<1024xi32>
    %add3A_143 = arith.constant 4096 : i32
    %add3A_144 = vector.broadcast %add3A_143 : i32 to vector<1024xi32>
    %add3A_145 = arith.addi %reduce_min3A_142, %add3A_144 : vector<1024xi32>
    %lt3A_146 = arith.cmpf olt, %reduce_min3A_133, %select_n3A_119 : vector<1024xf32>
    %select_n3A_147 = arith.select %lt3A_146, %add3A_145, %select_n3A_118 : vector<1024xi1>, vector<1024xi32>
    %select_n3A_148 = arith.select %lt3A_146, %reduce_min3A_133, %select_n3A_119 : vector<1024xi1>, vector<1024xf32>
    %get3A_149 = arith.constant 0 : index
    %get3A_150 = arith.constant 5120 : index
    %get3A_151 = arith.constant 0 : index
    %get3A_152 = vector.load %arg2[%get3A_149, %get3A_150, %get3A_151] : memref<1x8192x64xf32, #tpu.memory_space<vmem>>, vector<1x1024x64xf32>
    %get3A_153 = vector.shape_cast %get3A_152 : vector<1x1024x64xf32> to vector<1024x64xf32>
    %get3A_154 = arith.constant 5120 : index
    %get3A_155 = arith.constant 0 : index
    %get3A_156 = vector.load %arg6[%get3A_154, %get3A_155] : memref<8192x1xf32, #tpu.memory_space<vmem>>, vector<1024x1xf32>
    %dot_general3A_157 = arith.constant dense<0.000000e+00> : vector<1024x1024xf32>
    %dot_general3A_158 = tpu.matmul %get3A_153, %mul3A_8, %dot_general3A_157 {dimension_numbers = #tpu.dot_dimension_numbers<[1], [0], [0], [1], [0, 0, 1, 1], [], []>, transpose_lhs_hint = false} : vector<1024x64xf32>, vector<64x1024xf32>, vector<1024x1024xf32> -> vector<1024x1024xf32>
    %add3A_159 = vector.broadcast %get3A_156 : vector<1024x1xf32> to vector<1024x1024xf32>
    %add3A_160 = arith.addf %dot_general3A_158, %add3A_159 : vector<1024x1024xf32>
    %reduce_min3A_161 = arith.constant dense<0x7F800000> : vector<1024xf32>
    %reduce_min3A_162 = vector.multi_reduction <minimumf>, %add3A_160, %reduce_min3A_161 [0] : vector<1024x1024xf32> to vector<1024xf32>
    %broadcast_in_dim3A_163 = vector.shape_cast %reduce_min3A_162 : vector<1024xf32> to vector<1x1024xf32>
    %le3A_164 = vector.broadcast %broadcast_in_dim3A_163 : vector<1x1024xf32> to vector<1024x1024xf32>
    %le3A_165 = arith.cmpf ole, %add3A_160, %le3A_164 : vector<1024x1024xf32>
    %iota3A_166 = tpu.iota {dimensions = array<i32: 0>} : vector<1024x1024xi32>
    %jit3A_167 = arith.constant 1073741824 : i32
    %broadcast_in_dim3A_168 = vector.broadcast %jit3A_167 : i32 to vector<1024x1024xi32>
    %select_n3A_169 = arith.select %le3A_165, %iota3A_166, %broadcast_in_dim3A_168 : vector<1024x1024xi1>, vector<1024x1024xi32>
    %reduce_min3A_170 = arith.constant dense<2147483647> : vector<1024xi32>
    %reduce_min3A_171 = vector.multi_reduction <minsi>, %select_n3A_169, %reduce_min3A_170 [0] : vector<1024x1024xi32> to vector<1024xi32>
    %add3A_172 = arith.constant 5120 : i32
    %add3A_173 = vector.broadcast %add3A_172 : i32 to vector<1024xi32>
    %add3A_174 = arith.addi %reduce_min3A_171, %add3A_173 : vector<1024xi32>
    %lt3A_175 = arith.cmpf olt, %reduce_min3A_162, %select_n3A_148 : vector<1024xf32>
    %select_n3A_176 = arith.select %lt3A_175, %add3A_174, %select_n3A_147 : vector<1024xi1>, vector<1024xi32>
    %select_n3A_177 = arith.select %lt3A_175, %reduce_min3A_162, %select_n3A_148 : vector<1024xi1>, vector<1024xf32>
    %get3A_178 = arith.constant 0 : index
    %get3A_179 = arith.constant 6144 : index
    %get3A_180 = arith.constant 0 : index
    %get3A_181 = vector.load %arg2[%get3A_178, %get3A_179, %get3A_180] : memref<1x8192x64xf32, #tpu.memory_space<vmem>>, vector<1x1024x64xf32>
    %get3A_182 = vector.shape_cast %get3A_181 : vector<1x1024x64xf32> to vector<1024x64xf32>
    %get3A_183 = arith.constant 6144 : index
    %get3A_184 = arith.constant 0 : index
    %get3A_185 = vector.load %arg6[%get3A_183, %get3A_184] : memref<8192x1xf32, #tpu.memory_space<vmem>>, vector<1024x1xf32>
    %dot_general3A_186 = arith.constant dense<0.000000e+00> : vector<1024x1024xf32>
    %dot_general3A_187 = tpu.matmul %get3A_182, %mul3A_8, %dot_general3A_186 {dimension_numbers = #tpu.dot_dimension_numbers<[1], [0], [0], [1], [0, 0, 1, 1], [], []>, transpose_lhs_hint = false} : vector<1024x64xf32>, vector<64x1024xf32>, vector<1024x1024xf32> -> vector<1024x1024xf32>
    %add3A_188 = vector.broadcast %get3A_185 : vector<1024x1xf32> to vector<1024x1024xf32>
    %add3A_189 = arith.addf %dot_general3A_187, %add3A_188 : vector<1024x1024xf32>
    %reduce_min3A_190 = arith.constant dense<0x7F800000> : vector<1024xf32>
    %reduce_min3A_191 = vector.multi_reduction <minimumf>, %add3A_189, %reduce_min3A_190 [0] : vector<1024x1024xf32> to vector<1024xf32>
    %broadcast_in_dim3A_192 = vector.shape_cast %reduce_min3A_191 : vector<1024xf32> to vector<1x1024xf32>
    %le3A_193 = vector.broadcast %broadcast_in_dim3A_192 : vector<1x1024xf32> to vector<1024x1024xf32>
    %le3A_194 = arith.cmpf ole, %add3A_189, %le3A_193 : vector<1024x1024xf32>
    %iota3A_195 = tpu.iota {dimensions = array<i32: 0>} : vector<1024x1024xi32>
    %jit3A_196 = arith.constant 1073741824 : i32
    %broadcast_in_dim3A_197 = vector.broadcast %jit3A_196 : i32 to vector<1024x1024xi32>
    %select_n3A_198 = arith.select %le3A_194, %iota3A_195, %broadcast_in_dim3A_197 : vector<1024x1024xi1>, vector<1024x1024xi32>
    %reduce_min3A_199 = arith.constant dense<2147483647> : vector<1024xi32>
    %reduce_min3A_200 = vector.multi_reduction <minsi>, %select_n3A_198, %reduce_min3A_199 [0] : vector<1024x1024xi32> to vector<1024xi32>
    %add3A_201 = arith.constant 6144 : i32
    %add3A_202 = vector.broadcast %add3A_201 : i32 to vector<1024xi32>
    %add3A_203 = arith.addi %reduce_min3A_200, %add3A_202 : vector<1024xi32>
    %lt3A_204 = arith.cmpf olt, %reduce_min3A_191, %select_n3A_177 : vector<1024xf32>
    %select_n3A_205 = arith.select %lt3A_204, %add3A_203, %select_n3A_176 : vector<1024xi1>, vector<1024xi32>
    %select_n3A_206 = arith.select %lt3A_204, %reduce_min3A_191, %select_n3A_177 : vector<1024xi1>, vector<1024xf32>
    %get3A_207 = arith.constant 0 : index
    %get3A_208 = arith.constant 7168 : index
    %get3A_209 = arith.constant 0 : index
    %get3A_210 = vector.load %arg2[%get3A_207, %get3A_208, %get3A_209] : memref<1x8192x64xf32, #tpu.memory_space<vmem>>, vector<1x1024x64xf32>
    %get3A_211 = vector.shape_cast %get3A_210 : vector<1x1024x64xf32> to vector<1024x64xf32>
    %get3A_212 = arith.constant 7168 : index
    %get3A_213 = arith.constant 0 : index
    %get3A_214 = vector.load %arg6[%get3A_212, %get3A_213] : memref<8192x1xf32, #tpu.memory_space<vmem>>, vector<1024x1xf32>
    %dot_general3A_215 = arith.constant dense<0.000000e+00> : vector<1024x1024xf32>
    %dot_general3A_216 = tpu.matmul %get3A_211, %mul3A_8, %dot_general3A_215 {dimension_numbers = #tpu.dot_dimension_numbers<[1], [0], [0], [1], [0, 0, 1, 1], [], []>, transpose_lhs_hint = false} : vector<1024x64xf32>, vector<64x1024xf32>, vector<1024x1024xf32> -> vector<1024x1024xf32>
    %add3A_217 = vector.broadcast %get3A_214 : vector<1024x1xf32> to vector<1024x1024xf32>
    %add3A_218 = arith.addf %dot_general3A_216, %add3A_217 : vector<1024x1024xf32>
    %reduce_min3A_219 = arith.constant dense<0x7F800000> : vector<1024xf32>
    %reduce_min3A_220 = vector.multi_reduction <minimumf>, %add3A_218, %reduce_min3A_219 [0] : vector<1024x1024xf32> to vector<1024xf32>
    %broadcast_in_dim3A_221 = vector.shape_cast %reduce_min3A_220 : vector<1024xf32> to vector<1x1024xf32>
    %le3A_222 = vector.broadcast %broadcast_in_dim3A_221 : vector<1x1024xf32> to vector<1024x1024xf32>
    %le3A_223 = arith.cmpf ole, %add3A_218, %le3A_222 : vector<1024x1024xf32>
    %iota3A_224 = tpu.iota {dimensions = array<i32: 0>} : vector<1024x1024xi32>
    %jit3A_225 = arith.constant 1073741824 : i32
    %broadcast_in_dim3A_226 = vector.broadcast %jit3A_225 : i32 to vector<1024x1024xi32>
    %select_n3A_227 = arith.select %le3A_223, %iota3A_224, %broadcast_in_dim3A_226 : vector<1024x1024xi1>, vector<1024x1024xi32>
    %reduce_min3A_228 = arith.constant dense<2147483647> : vector<1024xi32>
    %reduce_min3A_229 = vector.multi_reduction <minsi>, %select_n3A_227, %reduce_min3A_228 [0] : vector<1024x1024xi32> to vector<1024xi32>
    %add3A_230 = arith.constant 7168 : i32
    %add3A_231 = vector.broadcast %add3A_230 : i32 to vector<1024xi32>
    %add3A_232 = arith.addi %reduce_min3A_229, %add3A_231 : vector<1024xi32>
    %lt3A_233 = arith.cmpf olt, %reduce_min3A_220, %select_n3A_206 : vector<1024xf32>
    %select_n3A_234 = arith.select %lt3A_233, %add3A_232, %select_n3A_205 : vector<1024xi1>, vector<1024xi32>
    %swap3A = arith.constant 0 : index
    %swap3A_235 = arith.constant 0 : index
    %swap3A_236 = arith.constant 0 : index
    %swap3A_237 = arith.constant 0 : index
    %swap3A_238 = vector.load %arg4[%swap3A, %swap3A_235, %swap3A_236, %swap3A_237] : memref<1x1x1x1024xi32, #tpu.memory_space<vmem>>, vector<1x1x1x1024xi32>
    %swap3A_239 = vector.shape_cast %swap3A_238 : vector<1x1x1x1024xi32> to vector<1024xi32>
    %swap3A_240 = vector.shape_cast %select_n3A_234 : vector<1024xi32> to vector<1x1x1x1024xi32>
    tpu.vector_store %arg4[%swap3A, %swap3A_235, %swap3A_236, %swap3A_237], %swap3A_240 {strides = array<i32>} : memref<1x1x1x1024xi32, #tpu.memory_space<vmem>>, vector<1x1x1x1024xi32>,
    %mul3A_241 = arith.constant 8192 : i32
    %mul3A_242 = arith.muli %arg0, %mul3A_241 : i32
    %add3A_243 = vector.broadcast %mul3A_242 : i32 to vector<1024xi32>
    %add3A_244 = arith.addi %select_n3A_234, %add3A_243 : vector<1024xi32>
    %swap3A_245 = arith.constant 0 : index
    %swap3A_246 = arith.constant 0 : index
    %swap3A_247 = arith.constant 0 : index
    %swap3A_248 = arith.constant 0 : index
    %swap3A_249 = vector.load %arg5[%swap3A_245, %swap3A_246, %swap3A_247, %swap3A_248] : memref<1x1x1x1024xi32, #tpu.memory_space<vmem>>, vector<1x1x1x1024xi32>
    %swap3A_250 = vector.shape_cast %swap3A_249 : vector<1x1x1x1024xi32> to vector<1024xi32>
    %swap3A_251 = vector.shape_cast %add3A_244 : vector<1024xi32> to vector<1x1x1x1024xi32>
    tpu.vector_store %arg5[%swap3A_245, %swap3A_246, %swap3A_247, %swap3A_248], %swap3A_251 {strides = array<i32>} : memref<1x1x1x1024xi32, #tpu.memory_space<vmem>>, vector<1x1x1x1024xi32>,
    return
  }
  func.func @transform_0(%arg0: i32, %arg1: i32) -> (i32, i32, i32) {
    %c0_i32 = arith.constant 0 : i32
    %c0_i32_0 = arith.constant 0 : i32
    %c0_i32_1 = arith.constant 0 : i32
    return %arg0, %c0_i32, %c0_i32_0 : i32, i32, i32
  }
  func.func @transform_1(%arg0: i32, %arg1: i32) -> (i32, i32, i32, i32) {
    %c0_i32 = arith.constant 0 : i32
    %c0_i32_0 = arith.constant 0 : i32
    %c0_i32_1 = arith.constant 0 : i32
    return %arg1, %arg0, %c0_i32, %c0_i32_0 : i32, i32, i32, i32
  }
  func.func @transform_2(%arg0: i32, %arg1: i32) -> (i32, i32, i32, i32) {
    %c0_i32 = arith.constant 0 : i32
    %c0_i32_0 = arith.constant 0 : i32
    %c0_i32_1 = arith.constant 0 : i32
    return %arg0, %arg1, %c0_i32, %c0_i32_0 : i32, i32, i32, i32
  }
  func.func @transform_3(%arg0: i32, %arg1: i32) -> (i32, i32, i32, i32) {
    %c0_i32 = arith.constant 0 : i32
    %c0_i32_0 = arith.constant 0 : i32
    %c0_i32_1 = arith.constant 0 : i32
    return %arg0, %arg1, %c0_i32, %c0_i32_0 : i32, i32, i32, i32
  }
}

module attributes {stable_mosaic.version = 14 : i64} {
  func.func @_assemble_body(%arg0: i32, %arg1: i32, %arg2: memref<1x1x1024x128xf32, #tpu.memory_space<vmem>>, %arg3: memref<1x1x64x1024xf32, #tpu.memory_space<vmem>>, %arg4: memref<1x1x64x1024xf32, #tpu.memory_space<vmem>>, %arg5: memref<1x1x1x1024xf32, #tpu.memory_space<vmem>>) attributes {dimension_semantics = [#tpu.dimension_semantics<arbitrary>, #tpu.dimension_semantics<arbitrary>], iteration_bounds = array<i64: 4, 64>, scalar_prefetch = 0 : i64, scratch_operands = 0 : i64, tpu.core_type = #tpu.core_type<tc>, window_params = [{transform_indices = @transform_0, window_bounds = array<i64: 1, 1, 1024, 128>}, {transform_indices = @transform_1, window_bounds = array<i64: 1, 1, 64, 1024>}, {transform_indices = @transform_2, window_bounds = array<i64: 1, 1, 64, 1024>}, {transform_indices = @transform_3, window_bounds = array<i64: 1, 1, 1, 1024>}]} {
    %get3A = arith.constant 0 : index
    %get3A_0 = arith.constant 0 : index
    %get3A_1 = arith.constant 0 : index
    %get3A_2 = arith.constant 0 : index
    %get3A_3 = vector.load %arg2[%get3A, %get3A_0, %get3A_1, %get3A_2] : memref<1x1x1024x128xf32, #tpu.memory_space<vmem>>, vector<1x1x1024x64xf32>
    %get3A_4 = vector.shape_cast %get3A_3 : vector<1x1x1024x64xf32> to vector<1024x64xf32>
    %transpose3A = tpu.transpose %get3A_4, [1, 0] : vector<1024x64xf32> -> vector<64x1024xf32>
    %get3A_5 = arith.constant 0 : index
    %get3A_6 = arith.constant 0 : index
    %get3A_7 = arith.constant 0 : index
    %get3A_8 = arith.constant 0 : index
    %get3A_9 = vector.load %arg3[%get3A_5, %get3A_6, %get3A_7, %get3A_8] : memref<1x1x64x1024xf32, #tpu.memory_space<vmem>>, vector<1x1x64x1024xf32>
    %get3A_10 = vector.shape_cast %get3A_9 : vector<1x1x64x1024xf32> to vector<64x1024xf32>
    %swap3A = arith.constant 0 : index
    %swap3A_11 = arith.constant 0 : index
    %swap3A_12 = arith.constant 0 : index
    %swap3A_13 = arith.constant 0 : index
    %swap3A_14 = vector.load %arg4[%swap3A, %swap3A_11, %swap3A_12, %swap3A_13] : memref<1x1x64x1024xf32, #tpu.memory_space<vmem>>, vector<1x1x64x1024xf32>
    %swap3A_15 = vector.shape_cast %swap3A_14 : vector<1x1x64x1024xf32> to vector<64x1024xf32>
    %swap3A_16 = vector.shape_cast %transpose3A : vector<64x1024xf32> to vector<1x1x64x1024xf32>
    tpu.vector_store %arg4[%swap3A, %swap3A_11, %swap3A_12, %swap3A_13], %swap3A_16 {strides = array<i32>} : memref<1x1x64x1024xf32, #tpu.memory_space<vmem>>, vector<1x1x64x1024xf32>,
    %sub3A = arith.subf %transpose3A, %get3A_10 : vector<64x1024xf32>
    %mul3A = arith.mulf %sub3A, %sub3A : vector<64x1024xf32>
    %reduce_sum3A = arith.constant dense<0.000000e+00> : vector<1024xf32>
    %reduce_sum3A_17 = vector.multi_reduction <add>, %mul3A, %reduce_sum3A [0] : vector<64x1024xf32> to vector<1024xf32>
    %swap3A_18 = arith.constant 0 : index
    %swap3A_19 = arith.constant 0 : index
    %swap3A_20 = arith.constant 0 : index
    %swap3A_21 = arith.constant 0 : index
    %swap3A_22 = vector.load %arg5[%swap3A_18, %swap3A_19, %swap3A_20, %swap3A_21] : memref<1x1x1x1024xf32, #tpu.memory_space<vmem>>, vector<1x1x1x1024xf32>
    %swap3A_23 = vector.shape_cast %swap3A_22 : vector<1x1x1x1024xf32> to vector<1024xf32>
    %swap3A_24 = vector.shape_cast %reduce_sum3A_17 : vector<1024xf32> to vector<1x1x1x1024xf32>
    tpu.vector_store %arg5[%swap3A_18, %swap3A_19, %swap3A_20, %swap3A_21], %swap3A_24 {strides = array<i32>} : memref<1x1x1x1024xf32, #tpu.memory_space<vmem>>, vector<1x1x1x1024xf32>,
    return
  }
  func.func @transform_0(%arg0: i32, %arg1: i32) -> (i32, i32, i32, i32) {
    %c0_i32 = arith.constant 0 : i32
    %c0_i32_0 = arith.constant 0 : i32
    %c0_i32_1 = arith.constant 0 : i32
    return %arg0, %arg1, %c0_i32, %c0_i32_0 : i32, i32, i32, i32
  }
  func.func @transform_1(%arg0: i32, %arg1: i32) -> (i32, i32, i32, i32) {
    %c0_i32 = arith.constant 0 : i32
    %c0_i32_0 = arith.constant 0 : i32
    %c0_i32_1 = arith.constant 0 : i32
    return %arg1, %arg0, %c0_i32, %c0_i32_0 : i32, i32, i32, i32
  }
  func.func @transform_2(%arg0: i32, %arg1: i32) -> (i32, i32, i32, i32) {
    %c0_i32 = arith.constant 0 : i32
    %c0_i32_0 = arith.constant 0 : i32
    %c0_i32_1 = arith.constant 0 : i32
    return %arg1, %arg0, %c0_i32, %c0_i32_0 : i32, i32, i32, i32
  }
  func.func @transform_3(%arg0: i32, %arg1: i32) -> (i32, i32, i32, i32) {
    %c0_i32 = arith.constant 0 : i32
    %c0_i32_0 = arith.constant 0 : i32
    %c0_i32_1 = arith.constant 0 : i32
    return %arg0, %arg1, %c0_i32, %c0_i32_0 : i32, i32, i32, i32
  }
}

module attributes {stable_mosaic.version = 14 : i64} {
  func.func @_final_body(%arg0: memref<4x64x1024xf32, #tpu.memory_space<vmem>>, %arg1: memref<2x4x8192xf32, #tpu.memory_space<vmem>>, %arg2: memref<1x1xf32, #tpu.memory_space<vmem>>, %arg3: memref<1x4xf32, #tpu.memory_space<vmem>>) attributes {dimension_semantics = [], scalar_prefetch = 0 : i64, scratch_operands = 0 : i64, tpu.core_type = #tpu.core_type<tc>} {
    %get3A = arith.constant 0 : index
    %get3A_0 = arith.constant 0 : index
    %get3A_1 = arith.constant 0 : index
    %get3A_2 = vector.load %arg0[%get3A, %get3A_0, %get3A_1] : memref<4x64x1024xf32, #tpu.memory_space<vmem>>, vector<4x64x1024xf32>
    %reduce_sum3A = vector.shape_cast %get3A_2 : vector<4x64x1024xf32> to vector<1x4x64x1024xf32>
    %reduce_sum3A_3 = arith.constant dense<0.000000e+00> : vector<1xf32>
    %reduce_sum3A_4 = vector.multi_reduction <add>, %reduce_sum3A, %reduce_sum3A_3 [1, 2, 3] : vector<1x4x64x1024xf32> to vector<1xf32>
    %reduce_sum3A_5 = vector.shape_cast %reduce_sum3A_4 : vector<1xf32> to vector<1x1x1x1xf32>
    %reduce_sum3A_6 = vector.extract %reduce_sum3A_5[0, 0, 0, 0] : f32 from vector<1x1x1x1xf32>
    %div3A = arith.constant 0x4B800000 : f32
    %div3A_7 = arith.divf %reduce_sum3A_6, %div3A : f32
    %reshape3A = vector.broadcast %div3A_7 : f32 to vector<1x1xf32>
    %swap3A = arith.constant 0 : index
    %swap3A_8 = arith.constant 0 : index
    %swap3A_9 = vector.load %arg2[%swap3A, %swap3A_8] : memref<1x1xf32, #tpu.memory_space<vmem>>, vector<1x1xf32>
    tpu.vector_store %arg2[%swap3A, %swap3A_8], %reshape3A {strides = array<i32>} : memref<1x1xf32, #tpu.memory_space<vmem>>, vector<1x1xf32>,
    %get3A_10 = arith.constant 0 : index
    %get3A_11 = arith.constant 0 : index
    %get3A_12 = arith.constant 0 : index
    %get3A_13 = vector.load %arg1[%get3A_10, %get3A_11, %get3A_12] : memref<2x4x8192xf32, #tpu.memory_space<vmem>>, vector<1x4x8192xf32>
    %get3A_14 = vector.shape_cast %get3A_13 : vector<1x4x8192xf32> to vector<4x8192xf32>
    %get3A_15 = arith.constant 1 : index
    %get3A_16 = arith.constant 0 : index
    %get3A_17 = arith.constant 0 : index
    %get3A_18 = vector.load %arg1[%get3A_15, %get3A_16, %get3A_17] : memref<2x4x8192xf32, #tpu.memory_space<vmem>>, vector<1x4x8192xf32>
    %get3A_19 = vector.shape_cast %get3A_18 : vector<1x4x8192xf32> to vector<4x8192xf32>
    %add3A = arith.addf %get3A_14, %get3A_19 : vector<4x8192xf32>
    %reduce_sum3A_20 = arith.constant dense<0.000000e+00> : vector<4xf32>
    %reduce_sum3A_21 = vector.multi_reduction <add>, %add3A, %reduce_sum3A_20 [1] : vector<4x8192xf32> to vector<4xf32>
    %broadcast_in_dim3A = vector.shape_cast %reduce_sum3A_21 : vector<4xf32> to vector<4x1xf32>
    %max3A = arith.constant 1.000000e+00 : f32
    %max3A_22 = vector.broadcast %max3A : f32 to vector<4x1xf32>
    %max3A_23 = arith.maximumf %broadcast_in_dim3A, %max3A_22 : vector<4x1xf32>
    %div3A_24 = vector.broadcast %max3A_23 : vector<4x1xf32> to vector<4x8192xf32>
    %div3A_25 = arith.divf %add3A, %div3A_24 : vector<4x8192xf32>
    %gt3A = arith.constant 0.000000e+00 : f32
    %gt3A_26 = vector.broadcast %gt3A : f32 to vector<4x8192xf32>
    %gt3A_27 = arith.cmpf ogt, %div3A_25, %gt3A_26 : vector<4x8192xf32>
    %add3A_28 = arith.constant 1.000000e-10 : f32
    %add3A_29 = vector.broadcast %add3A_28 : f32 to vector<4x8192xf32>
    %add3A_30 = arith.addf %div3A_25, %add3A_29 : vector<4x8192xf32>
    %log3A = math.log %add3A_30 : vector<4x8192xf32>
    %mul3A = arith.mulf %div3A_25, %log3A : vector<4x8192xf32>
    %jit3A = arith.constant 0.000000e+00 : f32
    %broadcast_in_dim3A_31 = vector.broadcast %jit3A : f32 to vector<4x8192xf32>
    %select_n3A = arith.select %gt3A_27, %mul3A, %broadcast_in_dim3A_31 : vector<4x8192xi1>, vector<4x8192xf32>
    %reduce_sum3A_32 = arith.constant dense<0.000000e+00> : vector<4xf32>
    %reduce_sum3A_33 = vector.multi_reduction <add>, %select_n3A, %reduce_sum3A_32 [1] : vector<4x8192xf32> to vector<4xf32>
    %neg3A = arith.constant 0.000000e+00 : f32
    %neg3A_34 = vector.broadcast %neg3A : f32 to vector<4xf32>
    %neg3A_35 = arith.subf %neg3A_34, %reduce_sum3A_33 : vector<4xf32>
    %exp3A = math.exp %neg3A_35 : vector<4xf32>
    %swap3A_36 = arith.constant 0 : index
    %swap3A_37 = arith.constant 0 : index
    %swap3A_38 = vector.load %arg3[%swap3A_36, %swap3A_37] : memref<1x4xf32, #tpu.memory_space<vmem>>, vector<1x4xf32>
    %swap3A_39 = vector.shape_cast %swap3A_38 : vector<1x4xf32> to vector<4xf32>
    %swap3A_40 = vector.shape_cast %exp3A : vector<4xf32> to vector<1x4xf32>
    tpu.vector_store %arg3[%swap3A_36, %swap3A_37], %swap3A_40 {strides = array<i32>} : memref<1x4xf32, #tpu.memory_space<vmem>>, vector<1x4xf32>,
    return
  }
}

</mosaic_0001>

<sc_bundles>
// kernel: kernel.6.cloned.1.call-start
scs
__scs_entry_jumppad:
0x0: {  	(pc) =	sbr.rel $0x88, $3  }
0x1: {  	(tag) =	ssettag $0x0;
	lr =	simm.s32 $0x1  }
0x2: {  	[smem:$0x3F9F] =	sst lr;
	_ =	strace $0xD0000000  }
0x3: {  	_ = 	snop  }
0x4: {  	_ = 	snop  }
0x5: {  	_ = 	snop  }
0x6: {  	_ = 	snop  }
0x7: {  	_ = 	snop  }
__scs_overlays_trampoline_lowered:
0x8: {  	[smem:$0x3FAE] =	sst s0  }
0x9: {  	[smem:$0x3FAF] =	sst s1  }
0xa: {  	[smem:$0x3FB0] =	sst s2  }
0xb: {  	[smem:$0x3FB1] =	sst s3  }
0xc: {  	[smem:$0x3FB2] =	sst s4  }
0xd: {  	[smem:$0x3FB3] =	sst s5  }
0xe: {  	[smem:$0x3FB4] =	sst s6  }
0xf: {  	[smem:$0x3FB5] =	sst s7  }
0x10: {  	[smem:$0x3FB6] =	sst s8  }
0x11: {  	[smem:$0x3FB7] =	sst s9;
	s0 =	simm.s32 @!p0 $0x0  }
0x12: {  	s1 =	sld [smem:$0x3F9D];
	s0 =	simm.s32 @p0 $0x1  }
0x13: {  	[smem:$0x3FB8] =	sst s0;
	s0 =	simm.s32 @!p1 $0x0  }
0x14: {  	s2 =	sld [smem:$0x3F9C];
	s0 =	simm.s32 @p1 $0x1  }
0x15: {  	[smem:$0x3FB9] =	sst s0;
	s0 =	simm.s32 @!p2 $0x0  }
0x16: {  	s3 =	sld [smem:$0x3FDB];
	s0 =	simm.s32 @p2 $0x1  }
0x17: {  	s4 =	simm.s32 $0x1BF5;
	[smem:$0x3FBB] =	sst s0  }
0x18: {  	s0 =	sld [smem:$0x3F9E];
	_ =	swait.ge [sflag:s4], $0x0  }
0x19: {  	s7 =	sld [smem:$0x3F9F]  }
0x1a: {  	s8 =	sadd.s32 $0xFFFFE003, lr  }
0x1b: {  	s9 =	sadd.s32 $0xFFFFFEF7, lr;
	s5 =	simm.s32 $0xFFFFFFFF;
	p2 =	slt.u32 s8, $0xFFFFF086  }
0x1c: {  	p1 =	slt.u32 s9, $0xF7A;
	s5 =	simm.s32 @!p2 $0x0  }
0x1d: {  	s5 =	simm.s32 @p1 $0x1;
	p0 =	seq.s32 s7, s2  }
0x1e: {  	s7 =	smul.u32 @!p0 $0xF7A, s2;
	p2 =	seq.s32 @!p0 s5, $0x0  }
0x1f: {  	s9 =	smul.u32 $0xF7A, s1;
	s8 =	simm.s32 @!p0 $0x1BF5;
	p2 =	por !p2, p0  }
0x20: {  	[sflag:s8] =	ssyncset.s32 @!p0 $0xFFFFF086;
	s6 =	sadd.s32 @!p0 s3, s7;
	s7 =	simm.s32 @!p0 $0x108  }
0x21: {  	s3 =	sadd.s32 s3, s9;
	s6 =	sadd.s32 @!p0 $0x88, s6;
	s7 =	simm.s32 @p2 $0x1082  }
0x22: {  	[simem:s7], [sflag:s8] =	dma.local @!p0 [hbm:s6], $0xF7A  }
0x23: {  	s9 =	sor.u32 $0xD0000000, s2;
	s6 =	simm.s32 $0x108;
	_ =	swait.ge @!p0 [sflag:s8], $0x0  }
0x24: {  	s3 =	sadd.s32 $0x88, s3;
	s6 =	simm.s32 @!p1 $0x1082;
	[sflag:s4] =	ssyncset.s32 $0xFFFFF086  }
0x25: {  	[simem:s6], [sflag:s4] =	dma.local [hbm:s3], $0xF7A  }
0x26: {  	[smem:$0x3F9F] =	sst s1;
	(tag) =	ssettag s2;
	_ =	strace s9  }
0x27: {  	s1 =	sld [smem:$0x3FAF]  }
0x28: {  	s2 =	sld [smem:$0x3FB0]  }
0x29: {  	s4 =	sld [smem:$0x3FB2]  }
0x2a: {  	p0 =	seq.s32 s5, $0x0;
	s5 =	sld [smem:$0x3FB3]  }
0x2b: {  	s6 =	sld [smem:$0x3FB4]  }
0x2c: {  	s7 =	sld [smem:$0x3FB5]  }
0x2d: {  	s3 =	simm.s32 $0x108;
	s8 =	sld [smem:$0x3FB6]  }
0x2e: {  	s3 =	simm.s32 @!p0 $0x1082;
	s9 =	sld [smem:$0x3FB7]  }
0x2f: {  	lr =	sadd.s32 s0, s3;
	s0 =	sld [smem:$0x3FAE]  }
0x30: {  	s3 =	sld [smem:$0x3FB1]  }
0x31: {  	[smem:$0x3FBA] =	sst s10  }
0x32: {  	s10 =	sld [smem:$0x3FB8];
	_ =	sdelay $0x3  }
0x33: {  	p0 =	seq.s32 s10, $0x1;
	s10 =	sld [smem:$0x3FBA];
	_ =	sdelay $0x3  }
0x34: {  	[smem:$0x3FBA] =	sst s10  }
0x35: {  	s10 =	sld [smem:$0x3FB9];
	_ =	sdelay $0x3  }
0x36: {  	p1 =	seq.s32 s10, $0x1;
	s10 =	sld [smem:$0x3FBA];
	_ =	sdelay $0x3  }
0x37: {  	[smem:$0x3FBA] =	sst s10  }
0x38: {  	s10 =	sld [smem:$0x3FBB]  }
0x39: {  	_ = 	snop;
	(pc) =	sbr.ind lr, $3  }
0x3a: {  	_ = 	snop  }
0x3b: {  	_ = 	snop  }
0x3c: {  	p2 =	seq.s32 s10, $0x1;
	s10 =	sld [smem:$0x3FBA]  }
0x3d: {  	_ =	shalt  }
0x3e: {  	_ =	shalt  }
0x3f: {  	_ =	shalt  }
0x40: {  	_ =	shalt  }
0x41: {  	_ =	shalt  }
0x42: {  	_ =	shalt  }
0x43: {  	_ =	shalt  }
0x44: {  	_ =	shalt  }
0x45: {  	_ =	shalt  }
0x46: {  	_ =	shalt  }
0x47: {  	_ =	shalt  }
0x48: {  	_ =	shalt  }
0x49: {  	_ =	shalt  }
0x4a: {  	_ =	shalt  }
0x4b: {  	_ =	shalt  }
0x4c: {  	_ =	shalt  }
0x4d: {  	_ =	shalt  }
0x4e: {  	_ =	shalt  }
0x4f: {  	_ =	shalt  }
0x50: {  	_ =	shalt  }
0x51: {  	_ =	shalt  }
0x52: {  	_ =	shalt  }
0x53: {  	_ =	shalt  }
0x54: {  	_ =	shalt  }
0x55: {  	_ =	shalt  }
0x56: {  	_ =	shalt  }
0x57: {  	_ =	shalt  }
0x58: {  	_ =	shalt  }
0x59: {  	_ =	shalt  }
0x5a: {  	_ =	shalt  }
0x5b: {  	_ =	shalt  }
0x5c: {  	_ =	shalt  }
0x5d: {  	_ =	shalt  }
0x5e: {  	_ =	shalt  }
0x5f: {  	_ =	shalt  }
0x60: {  	_ =	shalt  }
0x61: {  	_ =	shalt  }
0x62: {  	_ =	shalt  }
0x63: {  	_ =	shalt  }
0x64: {  	_ =	shalt  }
0x65: {  	_ =	shalt  }
0x66: {  	_ =	shalt  }
0x67: {  	_ =	shalt  }
0x68: {  	_ =	shalt  }
0x69: {  	_ =	shalt  }
0x6a: {  	_ =	shalt  }
0x6b: {  	_ =	shalt  }
0x6c: {  	_ =	shalt  }
0x6d: {  	_ =	shalt  }
0x6e: {  	_ =	shalt  }
0x6f: {  	_ =	shalt  }
0x70: {  	_ =	shalt  }
0x71: {  	_ =	shalt  }
0x72: {  	_ =	shalt  }
0x73: {  	_ =	shalt  }
0x74: {  	_ =	shalt  }
0x75: {  	_ =	shalt  }
0x76: {  	_ =	shalt  }
0x77: {  	_ =	shalt  }
0x78: {  	_ =	shalt  }
0x79: {  	_ =	shalt  }
0x7a: {  	_ =	shalt  }
0x7b: {  	_ =	shalt  }
0x7c: {  	_ =	shalt  }
0x7d: {  	_ =	shalt  }
0x7e: {  	_ =	shalt  }
0x7f: {  	_ =	shalt  }
0x80: {  	_ =	shalt  }
0x81: {  	_ =	shalt  }
0x82: {  	_ =	shalt  }
0x83: {  	_ =	shalt  }
0x84: {  	_ =	shalt  }
0x85: {  	_ =	shalt  }
0x86: {  	_ =	shalt  }
0x87: {  	_ =	shalt  }
.Lfunc_end0:
.L_simem_size_0:
called_computation_lowered:
.L_overlay_start_0:
0x88: {  	s2 =	sld [smem:$0x3FD9]  }
0x89: {  	s3 =	sld [smem:$0x3FFE];
	_ =	sdelay $0x1  }
0x8a: {  	s1 =	srdreg.scid  }
0x8b: {  	s0 =	sand.u32 $0x1, s1  }
0x8c: {  	s16 =	sshll.u32 s0, $0xA;
	s2 =	sadd.s32 s3, s2  }
0x8d: {  	s2 =	sadd.s32 s2, s16  }
0x8e: {  	[smem:$0x3FC6] =	sst s2  }
0x8f: {  	_ = 	snop  }
0x90: {  	(tm) =	ssettm $0x1  }
0x91: {  	s17 =	sld [smem:$0x3FFB];
	_ =	sdelay $0x3  }
0x92: {  	_ =	strace s17  }
0x93: {  	s2 =	sld [smem:$0x3FFC];
	_ =	sdelay $0x3  }
0x94: {  	_ =	strace s2  }
0x95: {  	s2 =	sld [smem:$0x3FFD];
	_ =	sdelay $0x3  }
0x96: {  	_ =	strace s2  }
0x97: {  	_ =	strace $0x8FFFFFFF  }
0x98: {  	s18 =	sld [smem:$0x3FDB];
	_ =	sdelay $0x1  }
0x99: {  	s19 =	simm.s32 $_scs_section_size  }
0x9a: {  	s4 =	simm.s32 $_size__tile_overlayer_lowered;
	s5 =	simm.s32 $_tile_overlayer_lowered  }
0x9b: {  	s22 =	simm.s32 $0x1BFF;
	s21 =	sshll.u32 s5, $0x1;
	s2 =	sadd.s32 s19, s18  }
0x9c: {  	s6 =	simm.s32 $0x0;
	s20 =	sshll.u32 s4, $0x1;
	s4 =	sadd.s32 s21, s2  }
0x9d: {  	[timem:s6], [sflag:s22] =	dma.local [hbm:s4], s20  }
0x9e: {  	_ =	swait.ge [sflag:s22], s20  }
0x9f: {  	s3 =	ssub.s32 $0x0, s20;
	[sflag:s22] =	ssyncset.done $0x0  }
0xa0: {  	[sflag:s22] =	ssyncadd.s32 s3;
	_ =	sdelay $0x1  }
0xa1: {  	s23 =	simm.s32 $0x1B8B  }
0xa2: {  	_ =	swait.ge [sflag:s23], $0x1  }
0xa3: {  	[sflag:s23] =	ssyncset.done $0x0  }
0xa4: {  	s25 =	simm.s32 $0x1B8E;
	s24 =	sld [smem:$0x3FFE];
	[sflag:s23] =	ssyncadd.s32 $0xFFFFFFFF  }
0xa5: {  	s26 =	simm.s32 $execute0_lowered;
	[smem:$0x3FD2] =	sst s25  }
0xa6: {  	s4 =	sshll.u32 s26, $0x1;
	_ =	strace $0x80000046;
	[dreg:$0x1] =	wrdreg $0xFFFFFFFF  }
0xa7: {  	s28 =	simm.s32 $_size_execute0_lowered;
	s2 =	sadd.s32 s2, s4;
	[dreg:$0x0] =	wrdreg $0x0  }
0xa8: {  	s4 =	sshll.u32 s28, $0x1;
	[dreg:$0x2] =	wrdreg s2  }
0xa9: {  	[dreg:$0x3] =	wrdreg s4  }
0xaa: {  	[dreg:$0x4] =	wrdreg $0xC0  }
0xab: {  	_ =	task [dreg:s6], $0x5FFFF  }
0xac: {  	[dreg:$0x1] =	wrdreg $0xFFFFFFFF  }
0xad: {  	[dreg:$0x0] =	wrdreg $0x60  }
0xae: {  	[dreg:$0x2] =	wrdreg s24  }
0xaf: {  	[dreg:$0x3] =	wrdreg $0x49000  }
0xb0: {  	[dreg:$0x4] =	wrdreg $0x9  }
0xb1: {  	_ =	task.clear_ibuf [dreg:s6], $0x5FFFF;
	_ =	strace $0x90000046  }
0xb2: {  	s29 =	simm.s32 $0x9;
	_ =	strace $0x80000048  }
0xb3: {  	_ =	swait.ge [sflag:s29], $0x1  }
0xb4: {  	[sflag:s29] =	ssyncadd.s32 $0xFFFFFFFF  }
0xb5: {  	_ =	strace $0x90000048  }
0xb6: {  	_ =	sfence  }
0xb7: {  	s30 =	sld [smem:$0x0];
	_ =	sdelay $0x2  }
0xb8: {  	s31 =	sshll.u32 s1, $0xD;
	s1 =	sshrl.u32 s1, $0x2  }
0xb9: {  	s3 =	sand.u32 $0x4000, s31;
	s1 =	sadd.s32 s1, s30  }
0xba: {  	s0 =	sor.u32 s3, s0;
	s1 =	sshll.u32 s1, $0x11  }
0xbb: {  	s0 =	sor.u32 s1, s0  }
0xbc: {  	s0 =	sadd.s32 $0x8F2B, s0  }
0xbd: {  	[sflag:s0] =	ssyncadd.remote.s32 $0x1  }
0xbe: {  	_ =	sfence.sel $0xFFFF  }
0xbf: {  	[dreg:$0x0] =	wrdreg $0xFFFFFFFF;
	(pc) =	sbr.abs _section_cstart, $3  }
0xc0: {  	[dreg:$0x1] =	wrdreg $0xFFFFFFFF  }
0xc1: {  	_ =	task.clear_ibuf [dreg:s6], $0x2FFFF;
	_ =	strace $0x9FFFFFFF  }
0xc2: {  	(tm) =	ssettm $0x7FFFFFFF  }
0xc3: {  	_ =	shalt  }
tec
execute0_lowered:
.L_overlay_start_1:
0x0: {  	(tag) =	ssettag $0x1  }
0x1: {  	s0 =	rddreg [dreg:$0x0]  }
0x2: {  	s1 =	rddreg [dreg:$0x1];
	s2 =	srdreg.scid  }
0x3: {  	s23 =	stileid.u32;
	s28 =	simm.s32 $0x4080;
	s29 =	simm.s32 $0x0  }
0x4: {  	s19 =	sand.u32 $0x1, s2;
	s2 =	simm.s32 $0x0;
	s3 =	sshll.u32 s23, $0xE  }
0x5: {  	s24 =	sshll.u32 s23, $0x12;
	s26 =	sadd.s32 $0x800, s1;
	s30 =	sadd.s32 $0x1000, s1  }
0x6: {  	s7 =	sadd.s32 $0x2000, s1;
	s8 =	sadd.s32 $0x2800, s1;
	s9 =	sadd.s32 $0x3000, s1  }
0x7: {  	s10 =	sadd.s32 $0x3800, s1;
	s11 =	sadd.s32 $0x4000, s1;
	s12 =	sadd.s32 $0x4800, s1  }
0x8: {  	s13 =	sadd.s32 $0x5000, s1;
	s14 =	sadd.s32 $0x5800, s1;
	s15 =	sadd.s32 $0x6000, s1  }
0x9: {  	s16 =	sadd.s32 $0x6800, s1;
	s17 =	sadd.s32 $0x7000, s1;
	s18 =	sadd.s32 $0x7800, s1  }
0xa: {  	p0 =	sne.s32 s23, $0x0;
	s23 =	simm.s32 $0x4100;
	s4 =	sshll.u32 s19, $0xD  }
0xb: {  	[smem:$0x7FF] =	sst s2;
	s5 =	ssub.s32 $0x2, s19;
	s21 =	sadd.s32 s24, s0  }
0xc: {  	s25 =	sshll.u32 s19, $0x4;
	s24 =	sshll.u32 s19, $0x11;
	s4 =	sor.u32 s4, s3  }
0xd: {  	_ =	strace $0x80000047;
	s3 =	sadd.s32 $0x9A00, s0;
	[dreg:$0x3] =	wrdreg s26  }
0xe: {  	s6 =	sshrl.u32 s5, $0x1;
	[dreg:$0x4] =	wrdreg s30;
	s31 =	sadd.s32 s24, s21  }
0xf: {  	s24 =	simm.s32 $0x2;
	s26 =	simm.s32 $0x1;
	s4 =	sshrl.u32 s4, $0x3  }
0x10: {  	s20 =	ssub.s32 s5, s6;
	s6 =	sadd.s32 $0x1800, s1;
	s21 =	sadd.s32 $0x89A00, s31  }
0x11: {  	s22 =	sadd.s32 s4, s0;
	s0 =	sadd.s32 s25, s0;
	s20 =	smax.u32 s20, $0x1  }
0x12: {  	v0 =	vimm.f32 $1.000000000e+00;
	v1 =	vimm.f32 $0.0e+00;
	s25 =	simm.s32 $0x80;
	s19 =	sadd.s32 $0x489A00, s0;
	s22 =	sadd.s32 $0x1A00, s22  }
.LBB2_1:
0x13: {  	[tilespmem:$0x4080] =	vst v0  }
0x14: {  	[tilespmem:$0x4090] =	vst v0  }
0x15: {  	[tilespmem:$0x40A0] =	vst v0  }
.Ltmp0:
0x16: {  	[tilespmem:$0x40B0] =	vst v0;
	(pc) =	sbr.rel @p0 .LBB2_3-.Ltmp0, $4  }
0x17: {  	[tilespmem:$0x40C0] =	vst v0  }
0x18: {  	[tilespmem:$0x40D0] =	vst v0  }
0x19: {  	[tilespmem:$0x40E0] =	vst v0  }
0x1a: {  	[tilespmem:$0x40F0] =	vst v0  }
0x1b: {  	[tilespmem:$0x4100] =	vst v1  }
0x1c: {  	[tilespmem:$0x4110] =	vst v1  }
0x1d: {  	[tilespmem:$0x4120] =	vst v1  }
0x1e: {  	[tilespmem:$0x4130] =	vst v1  }
0x1f: {  	[tilespmem:$0x4140] =	vst v1  }
0x20: {  	[tilespmem:$0x4150] =	vst v1  }
0x21: {  	[tilespmem:$0x4160] =	vst v1  }
0x22: {  	[tilespmem:$0x4170] =	vst v1  }
0x23: {  	[tilespmem:$0x4180] =	vst v1  }
0x24: {  	[tilespmem:$0x4190] =	vst v1  }
0x25: {  	[tilespmem:$0x41A0] =	vst v1  }
0x26: {  	[tilespmem:$0x41B0] =	vst v1  }
0x27: {  	[tilespmem:$0x41C0] =	vst v1  }
0x28: {  	[tilespmem:$0x41D0] =	vst v1  }
0x29: {  	[tilespmem:$0x41E0] =	vst v1  }
0x2a: {  	[tilespmem:$0x41F0] =	vst v1  }
0x2b: {  	[tilespmem:$0x4200] =	vst v1  }
0x2c: {  	[tilespmem:$0x4210] =	vst v1  }
0x2d: {  	[tilespmem:$0x4220] =	vst v1  }
0x2e: {  	[tilespmem:$0x4230] =	vst v1  }
0x2f: {  	[tilespmem:$0x4240] =	vst v1  }
0x30: {  	[tilespmem:$0x4250] =	vst v1  }
0x31: {  	[tilespmem:$0x4260] =	vst v1  }
0x32: {  	[tilespmem:$0x4270] =	vst v1  }
0x33: {  	[tilespmem:$0x4280] =	vst v1  }
0x34: {  	[tilespmem:$0x4290] =	vst v1  }
0x35: {  	[tilespmem:$0x42A0] =	vst v1  }
0x36: {  	[tilespmem:$0x42B0] =	vst v1  }
0x37: {  	[tilespmem:$0x42C0] =	vst v1  }
0x38: {  	[tilespmem:$0x42D0] =	vst v1  }
0x39: {  	[tilespmem:$0x42E0] =	vst v1  }
0x3a: {  	[tilespmem:$0x42F0] =	vst v1  }
0x3b: {  	[tilespmem:$0x4300] =	vst v1  }
0x3c: {  	[tilespmem:$0x4310] =	vst v1  }
0x3d: {  	[tilespmem:$0x4320] =	vst v1  }
0x3e: {  	[tilespmem:$0x4330] =	vst v1  }
0x3f: {  	[tilespmem:$0x4340] =	vst v1  }
0x40: {  	[tilespmem:$0x4350] =	vst v1  }
0x41: {  	[tilespmem:$0x4360] =	vst v1  }
0x42: {  	[tilespmem:$0x4370] =	vst v1  }
0x43: {  	[tilespmem:$0x4380] =	vst v1  }
0x44: {  	[tilespmem:$0x4390] =	vst v1  }
0x45: {  	[tilespmem:$0x43A0] =	vst v1  }
0x46: {  	[tilespmem:$0x43B0] =	vst v1  }
0x47: {  	[tilespmem:$0x43C0] =	vst v1  }
0x48: {  	[tilespmem:$0x43D0] =	vst v1  }
0x49: {  	[tilespmem:$0x43E0] =	vst v1  }
0x4a: {  	[tilespmem:$0x43F0] =	vst v1  }
0x4b: {  	[tilespmem:$0x4400] =	vst v1  }
0x4c: {  	[tilespmem:$0x4410] =	vst v1  }
0x4d: {  	[tilespmem:$0x4420] =	vst v1  }
0x4e: {  	[tilespmem:$0x4430] =	vst v1  }
0x4f: {  	[tilespmem:$0x4440] =	vst v1  }
0x50: {  	[tilespmem:$0x4450] =	vst v1  }
0x51: {  	[tilespmem:$0x4460] =	vst v1  }
0x52: {  	[tilespmem:$0x4470] =	vst v1  }
0x53: {  	[tilespmem:$0x4480] =	vst v1  }
0x54: {  	[tilespmem:$0x4490] =	vst v1  }
0x55: {  	[tilespmem:$0x44A0] =	vst v1  }
0x56: {  	[tilespmem:$0x44B0] =	vst v1  }
0x57: {  	[tilespmem:$0x44C0] =	vst v1  }
0x58: {  	[tilespmem:$0x44D0] =	vst v1  }
0x59: {  	[tilespmem:$0x44E0] =	vst v1  }
0x5a: {  	[tilespmem:$0x44F0] =	vst v1  }
0x5b: {  	[tilespmem:$0x4500] =	vst v1  }
0x5c: {  	[tilespmem:$0x4510] =	vst v1  }
0x5d: {  	[tilespmem:$0x4520] =	vst v1  }
0x5e: {  	[tilespmem:$0x4530] =	vst v1  }
0x5f: {  	[tilespmem:$0x4540] =	vst v1  }
0x60: {  	[tilespmem:$0x4550] =	vst v1  }
0x61: {  	[tilespmem:$0x4560] =	vst v1  }
0x62: {  	[tilespmem:$0x4570] =	vst v1  }
0x63: {  	[tilespmem:$0x4580] =	vst v1  }
0x64: {  	[tilespmem:$0x4590] =	vst v1  }
0x65: {  	[tilespmem:$0x45A0] =	vst v1  }
0x66: {  	[tilespmem:$0x45B0] =	vst v1  }
0x67: {  	[tilespmem:$0x45C0] =	vst v1  }
0x68: {  	[tilespmem:$0x45D0] =	vst v1  }
0x69: {  	[tilespmem:$0x45E0] =	vst v1  }
0x6a: {  	[tilespmem:$0x45F0] =	vst v1  }
0x6b: {  	[tilespmem:$0x4600] =	vst v1  }
0x6c: {  	[tilespmem:$0x4610] =	vst v1  }
0x6d: {  	[tilespmem:$0x4620] =	vst v1  }
0x6e: {  	[tilespmem:$0x4630] =	vst v1  }
0x6f: {  	[tilespmem:$0x4640] =	vst v1  }
0x70: {  	[tilespmem:$0x4650] =	vst v1  }
0x71: {  	[tilespmem:$0x4660] =	vst v1  }
0x72: {  	[tilespmem:$0x4670] =	vst v1  }
0x73: {  	[tilespmem:$0x4680] =	vst v1  }
0x74: {  	[tilespmem:$0x4690] =	vst v1  }
0x75: {  	[tilespmem:$0x46A0] =	vst v1  }
0x76: {  	[tilespmem:$0x46B0] =	vst v1  }
0x77: {  	[tilespmem:$0x46C0] =	vst v1  }
0x78: {  	[tilespmem:$0x46D0] =	vst v1  }
0x79: {  	[tilespmem:$0x46E0] =	vst v1  }
0x7a: {  	[tilespmem:$0x46F0] =	vst v1  }
0x7b: {  	[tilespmem:$0x4700] =	vst v1  }
0x7c: {  	[tilespmem:$0x4710] =	vst v1  }
0x7d: {  	[tilespmem:$0x4720] =	vst v1  }
0x7e: {  	[tilespmem:$0x4730] =	vst v1  }
0x7f: {  	[tilespmem:$0x4740] =	vst v1  }
0x80: {  	[tilespmem:$0x4750] =	vst v1  }
0x81: {  	[tilespmem:$0x4760] =	vst v1  }
0x82: {  	[tilespmem:$0x4770] =	vst v1  }
0x83: {  	[tilespmem:$0x4780] =	vst v1  }
0x84: {  	[tilespmem:$0x4790] =	vst v1  }
0x85: {  	[tilespmem:$0x47A0] =	vst v1  }
0x86: {  	[tilespmem:$0x47B0] =	vst v1  }
0x87: {  	[tilespmem:$0x47C0] =	vst v1  }
0x88: {  	[tilespmem:$0x47D0] =	vst v1  }
0x89: {  	[tilespmem:$0x47E0] =	vst v1  }
0x8a: {  	[tilespmem:$0x47F0] =	vst v1  }
0x8b: {  	[tilespmem:$0x4800] =	vst v1  }
0x8c: {  	[tilespmem:$0x4810] =	vst v1  }
0x8d: {  	[tilespmem:$0x4820] =	vst v1  }
0x8e: {  	[tilespmem:$0x4830] =	vst v1  }
0x8f: {  	[tilespmem:$0x4840] =	vst v1  }
0x90: {  	[tilespmem:$0x4850] =	vst v1  }
0x91: {  	[tilespmem:$0x4860] =	vst v1  }
0x92: {  	[tilespmem:$0x4870] =	vst v1  }
0x93: {  	[tilespmem:$0x4880] =	vst v1  }
0x94: {  	[tilespmem:$0x4890] =	vst v1  }
0x95: {  	[tilespmem:$0x48A0] =	vst v1  }
0x96: {  	[tilespmem:$0x48B0] =	vst v1  }
0x97: {  	[tilespmem:$0x48C0] =	vst v1  }
0x98: {  	[tilespmem:$0x48D0] =	vst v1  }
0x99: {  	[tilespmem:$0x48E0] =	vst v1  }
0x9a: {  	[tilespmem:$0x48F0] =	vst v1  }
0x9b: {  	[spmem:s1] =	stream.linear.scatter [tilespmem:s23], [sflag:$0x2], $0x800, $0x38;
	[tilespmem:$0x5100] =	vst v63  }
0x9c: {  	_ =	swait.ge [sflag:s24], $0x800  }
0x9d: {  	[sflag:s24] =	ssyncset.done $0x0  }
0x9e: {  	s0 =	rddreg [dreg:$0x3];
	[sflag:s24] =	ssyncadd.s32 $0xFFFFF800  }
0x9f: {  	[spmem:s0] =	stream.linear.scatter [tilespmem:s23], [sflag:$0x2], $0x800, $0x38;
	[tilespmem:$0x5100] =	vst v63  }
0xa0: {  	_ =	swait.ge [sflag:s24], $0x800  }
0xa1: {  	[sflag:s24] =	ssyncset.done $0x0  }
0xa2: {  	s31 =	rddreg [dreg:$0x4];
	[sflag:s24] =	ssyncadd.s32 $0xFFFFF800  }
0xa3: {  	[spmem:s31] =	stream.linear.scatter [tilespmem:s23], [sflag:$0x2], $0x800, $0x38;
	[tilespmem:$0x5100] =	vst v63  }
0xa4: {  	_ =	swait.ge [sflag:s24], $0x800  }
0xa5: {  	[sflag:s24] =	ssyncset.done $0x0  }
0xa6: {  	[sflag:s24] =	ssyncadd.s32 $0xFFFFF800  }
0xa7: {  	[spmem:s6] =	stream.linear.scatter [tilespmem:s23], [sflag:$0x2], $0x800, $0x38;
	[tilespmem:$0x5100] =	vst v63  }
0xa8: {  	_ =	swait.ge [sflag:s24], $0x800  }
0xa9: {  	[sflag:s24] =	ssyncset.done $0x0  }
0xaa: {  	[sflag:s24] =	ssyncadd.s32 $0xFFFFF800  }
0xab: {  	[spmem:s7] =	stream.linear.scatter [tilespmem:s23], [sflag:$0x2], $0x800, $0x38;
	[tilespmem:$0x5100] =	vst v63  }
0xac: {  	_ =	swait.ge [sflag:s24], $0x800  }
0xad: {  	[sflag:s24] =	ssyncset.done $0x0  }
0xae: {  	[sflag:s24] =	ssyncadd.s32 $0xFFFFF800  }
0xaf: {  	[spmem:s8] =	stream.linear.scatter [tilespmem:s23], [sflag:$0x2], $0x800, $0x38;
	[tilespmem:$0x5100] =	vst v63  }
0xb0: {  	_ =	swait.ge [sflag:s24], $0x800  }
0xb1: {  	[sflag:s24] =	ssyncset.done $0x0  }
0xb2: {  	[sflag:s24] =	ssyncadd.s32 $0xFFFFF800  }
0xb3: {  	[spmem:s9] =	stream.linear.scatter [tilespmem:s23], [sflag:$0x2], $0x800, $0x38;
	[tilespmem:$0x5100] =	vst v63  }
0xb4: {  	_ =	swait.ge [sflag:s24], $0x800  }
0xb5: {  	[sflag:s24] =	ssyncset.done $0x0  }
0xb6: {  	[sflag:s24] =	ssyncadd.s32 $0xFFFFF800  }
0xb7: {  	[spmem:s10] =	stream.linear.scatter [tilespmem:s23], [sflag:$0x2], $0x800, $0x38;
	[tilespmem:$0x5100] =	vst v63  }
0xb8: {  	_ =	swait.ge [sflag:s24], $0x800  }
0xb9: {  	[sflag:s24] =	ssyncset.done $0x0  }
0xba: {  	[sflag:s24] =	ssyncadd.s32 $0xFFFFF800  }
0xbb: {  	[spmem:s11] =	stream.linear.scatter [tilespmem:s23], [sflag:$0x2], $0x800, $0x38;
	[tilespmem:$0x5100] =	vst v63  }
0xbc: {  	_ =	swait.ge [sflag:s24], $0x800  }
0xbd: {  	[sflag:s24] =	ssyncset.done $0x0  }
0xbe: {  	[sflag:s24] =	ssyncadd.s32 $0xFFFFF800  }
0xbf: {  	[spmem:s12] =	stream.linear.scatter [tilespmem:s23], [sflag:$0x2], $0x800, $0x38;
	[tilespmem:$0x5100] =	vst v63  }
0xc0: {  	_ =	swait.ge [sflag:s24], $0x800  }
0xc1: {  	[sflag:s24] =	ssyncset.done $0x0  }
0xc2: {  	[sflag:s24] =	ssyncadd.s32 $0xFFFFF800  }
0xc3: {  	[spmem:s13] =	stream.linear.scatter [tilespmem:s23], [sflag:$0x2], $0x800, $0x38;
	[tilespmem:$0x5100] =	vst v63  }
0xc4: {  	_ =	swait.ge [sflag:s24], $0x800  }
0xc5: {  	[sflag:s24] =	ssyncset.done $0x0  }
0xc6: {  	[sflag:s24] =	ssyncadd.s32 $0xFFFFF800  }
0xc7: {  	[spmem:s14] =	stream.linear.scatter [tilespmem:s23], [sflag:$0x2], $0x800, $0x38;
	[tilespmem:$0x5100] =	vst v63  }
0xc8: {  	_ =	swait.ge [sflag:s24], $0x800  }
0xc9: {  	[sflag:s24] =	ssyncset.done $0x0  }
0xca: {  	[sflag:s24] =	ssyncadd.s32 $0xFFFFF800  }
0xcb: {  	[spmem:s15] =	stream.linear.scatter [tilespmem:s23], [sflag:$0x2], $0x800, $0x38;
	[tilespmem:$0x5100] =	vst v63  }
0xcc: {  	_ =	swait.ge [sflag:s24], $0x800  }
0xcd: {  	[sflag:s24] =	ssyncset.done $0x0  }
0xce: {  	[sflag:s24] =	ssyncadd.s32 $0xFFFFF800  }
0xcf: {  	[spmem:s16] =	stream.linear.scatter [tilespmem:s23], [sflag:$0x2], $0x800, $0x38;
	[tilespmem:$0x5100] =	vst v63  }
0xd0: {  	_ =	swait.ge [sflag:s24], $0x800  }
0xd1: {  	[sflag:s24] =	ssyncset.done $0x0  }
0xd2: {  	[sflag:s24] =	ssyncadd.s32 $0xFFFFF800  }
0xd3: {  	[spmem:s17] =	stream.linear.scatter [tilespmem:s23], [sflag:$0x2], $0x800, $0x38;
	[tilespmem:$0x5100] =	vst v63  }
0xd4: {  	_ =	swait.ge [sflag:s24], $0x800  }
0xd5: {  	[sflag:s24] =	ssyncset.done $0x0  }
0xd6: {  	[sflag:s24] =	ssyncadd.s32 $0xFFFFF800  }
0xd7: {  	[spmem:s18] =	stream.linear.scatter [tilespmem:s23], [sflag:$0x2], $0x800, $0x38;
	[tilespmem:$0x5100] =	vst v63  }
0xd8: {  	_ =	swait.ge [sflag:s24], $0x800  }
0xd9: {  	[sflag:s24] =	ssyncset.done $0x0  }
0xda: {  	[sflag:s24] =	ssyncadd.s32 $0xFFFFF800  }
.LBB2_3:
0xdb: {  	[bflag:$0x0] =	sbarrier.arrive $0xFFFF;
	s0 =	sadd.s32 $0x0, s22  }
0xdc: {  	[tilespmem:s2], [sflag:$0x2] =	stream.linear.gather [hbm4b:s0+s2], $0x80, $0x38;
	[tilespmem:$0x5100] =	vst v63  }
0xdd: {  	_ =	swait.ge [sflag:s24], $0x80  }
0xde: {  	[sflag:s24] =	ssyncset.done $0x0  }
0xdf: {  	[sflag:s24] =	ssyncadd.s32 $0xFFFFFF80  }
0xe0: {  	[tilespmem:s25], [sflag:$0x1] =	stream.indirect.gather [hbm4b:s3+s25], $0x80, s2, s25, $0xb8;
	[tilespmem:$0x5100] =	vst v63  }
0xe1: {  	_ =	swait.ge [sflag:s26], $0x4000  }
0xe2: {  	[sflag:s26] =	ssyncset.done $0x0  }
0xe3: {  	[sflag:s26] =	ssyncadd.s32 $0xFFFFC000  }
0xe4: {  	[hbm4b:s21+s2] =	stream.linear.scatter [tilespmem:s25], [sflag:$0x2], $0x4000, $0x38;
	[tilespmem:$0x5100] =	vst v63  }
0xe5: {  	_ =	swait.ge [sflag:s24], $0x4000  }
0xe6: {  	[sflag:s24] =	ssyncset.done $0x0  }
0xe7: {  	[sflag:s24] =	ssyncadd.s32 $0xFFFFC000  }
0xe8: {  	[spmem:s1] =	stream.indirect.scatter.add.f32 [tilespmem:s28], [sflag:$0x2], $0x1, s2, s25, $0xb8;
	[tilespmem:$0x5100] =	vst v63  }
0xe9: {  	s31 =	simm.s32 $0x10;
	_ =	swait.ge [sflag:s24], $0x80  }
0xea: {  	s30 =	sadd.s32 $0x800, s21;
	s0 =	simm.s32 $0x20;
	[sflag:s24] =	ssyncset.done $0x0  }
.LBB2_4:
0xeb: {  	s4 =	sadd.s32 s31, s22  }
0xec: {  	[sflag:s24] =	ssyncadd.s32 $0xFFFFFF80;
	s31 =	smov.u32 s0;
	s5 =	sadd.s32 $0x10, s0  }
0xed: {  	[tilespmem:s2], [sflag:$0x2] =	stream.linear.gather [hbm4b:s4+s2], $0x80, $0x38;
	[tilespmem:$0x5100] =	vst v63  }
0xee: {  	p1 =	sne.s32 s0, $0x3F0;
	_ =	swait.ge [sflag:s24], $0x80  }
0xef: {  	[sflag:s24] =	ssyncset.done $0x0  }
0xf0: {  	[sflag:s24] =	ssyncadd.s32 $0xFFFFFF80  }
0xf1: {  	[tilespmem:s25], [sflag:$0x1] =	stream.indirect.gather [hbm4b:s3+s25], $0x80, s2, s25, $0xb8;
	[tilespmem:$0x5100] =	vst v63  }
0xf2: {  	_ =	swait.ge [sflag:s26], $0x4000  }
0xf3: {  	[sflag:s26] =	ssyncset.done $0x0  }
0xf4: {  	[sflag:s26] =	ssyncadd.s32 $0xFFFFC000  }
0xf5: {  	[hbm4b:s30+s2] =	stream.linear.scatter [tilespmem:s25], [sflag:$0x2], $0x4000, $0x38;
	[tilespmem:$0x5100] =	vst v63  }
0xf6: {  	_ =	swait.ge [sflag:s24], $0x4000  }
.Ltmp1:
0xf7: {  	[sflag:s24] =	ssyncset.done $0x0;
	(pc) =	sbr.rel @p1 .LBB2_4-.Ltmp1, $4  }
0xf8: {  	[sflag:s24] =	ssyncadd.s32 $0xFFFFC000  }
0xf9: {  	[spmem:s1] =	stream.indirect.scatter.add.f32 [tilespmem:s28], [sflag:$0x2], $0x1, s2, s25, $0xb8;
	[tilespmem:$0x5100] =	vst v63  }
0xfa: {  	_ =	swait.ge [sflag:s24], $0x80  }
0xfb: {  	s0 =	smov.u32 s5;
	s30 =	sadd.s32 $0x800, s30;
	[sflag:s24] =	ssyncset.done $0x0  }
0xfc: {  	s0 =	sadd.s32 s31, s22;
	[sflag:s24] =	ssyncadd.s32 $0xFFFFFF80  }
0xfd: {  	[tilespmem:s2], [sflag:$0x2] =	stream.linear.gather [hbm4b:s0+s2], $0x80, $0x38;
	[tilespmem:$0x5100] =	vst v63  }
0xfe: {  	_ =	swait.ge [sflag:s24], $0x80  }
0xff: {  	[sflag:s24] =	ssyncset.done $0x0  }
0x100: {  	[sflag:s24] =	ssyncadd.s32 $0xFFFFFF80  }
0x101: {  	[tilespmem:s25], [sflag:$0x1] =	stream.indirect.gather [hbm4b:s3+s25], $0x80, s2, s25, $0xb8;
	[tilespmem:$0x5100] =	vst v63  }
0x102: {  	_ =	swait.ge [sflag:s26], $0x4000  }
0x103: {  	[sflag:s26] =	ssyncset.done $0x0  }
0x104: {  	[sflag:s26] =	ssyncadd.s32 $0xFFFFC000  }
0x105: {  	[hbm4b:s30+s2] =	stream.linear.scatter [tilespmem:s25], [sflag:$0x2], $0x4000, $0x38;
	[tilespmem:$0x5100] =	vst v63  }
0x106: {  	_ =	swait.ge [sflag:s24], $0x4000  }
0x107: {  	[sflag:s24] =	ssyncset.done $0x0  }
0x108: {  	[sflag:s24] =	ssyncadd.s32 $0xFFFFC000  }
0x109: {  	[spmem:s1] =	stream.indirect.scatter.add.f32 [tilespmem:s28], [sflag:$0x2], $0x1, s2, s25, $0xb8;
	[tilespmem:$0x5100] =	vst v63  }
0x10a: {  	s4 =	simm.s32 @!p0 $0x1;
	_ =	swait.ge [sflag:s24], $0x80  }
0x10b: {  	s5 =	simm.s32 @!p0 $0x20;
	s31 =	simm.s32 @!p0 $0x1C02;
	[sflag:s24] =	ssyncset.done $0x0  }
0x10c: {  	s29 =	sadd.s32 $0x1, s29;
	s0 =	sshrl.u32 @!p0 s1, $0x3;
	[sflag:s24] =	ssyncadd.s32 $0xFFFFFF80  }
0x10d: {  	p1 =	sne.s32 s29, s20;
	s30 =	simm.s32 @!p0 $0x10;
	[bflag:$0x0] =	sbarrier.arrive $0xFFFF  }
0x10e: {  	[hbm:s19@s5], [sflag:s31] =	dma.strided @!p0 [spmem:s0@s30], $0x1000, s4, $0x10   }
.Ltmp2:
0x10f: {  	_ = 	snop;
	(pc) =	sbr.rel @p1 .LBB2_1-.Ltmp2, $4  }
0x110: {  	s0 =	simm.s32 @!p0 $0x2  }
0x111: {  	_ =	swait.ge @!p0 [sflag:s0], $0x1000  }
0x112: {  	[sflag:s0] =	ssyncset.done @!p0 $0x0  }
0x113: {  	[sflag:s0] =	ssyncadd.s32 @!p0 $0xFFFFF000  }
0x114: {  	_ =	sfence.sel $0x180000  }
0x115: {  	[bflag:$0x0] =	sbarrier.arrive $0xFFFF  }
0x116: {  	_ =	strace $0x90000047  }
0x117: {  	[bflag:$0x2] =	sbarrier.arrive $0xFFFF  }
0x118: {  	s0 =	rddreg [dreg:$0x2]  }
0x119: {  	s0 =	sadd.s32 @!p0 $0x100000, s0  }
0x11a: {  	[sflag:s0] =	ssyncadd.tile.s32 @!p0 $0x1;
	_ =	shalt  }
.Lfunc_end2:
_tile_overlayer_lowered:
.L_overlay_start_2:
0x11b: {  	(tag) =	ssettag $0x2  }
0x11c: {  	s0 =	rddreg [dreg:$0x0];
	s2 =	stileid.u32  }
0x11d: {  	s1 =	rddreg [dreg:$0x1];
	p0 =	sne.s32 s2, $0x0  }
0x11e: {  	s3 =	rddreg [dreg:$0x2];
	[bflag:$0x3] =	sbarrier.arrive $0xFFFF;
	s2 =	simm.s32 @!p0 $0x1C02  }
0x11f: {  	[timem:s3], [sflag:s2] =	dma.local @!p0 [hbm:s0], s1  }
0x120: {  	s0 =	simm.s32 @!p0 $0x2  }
0x121: {  	_ =	swait.ge @!p0 [sflag:s0], s1  }
0x122: {  	s1 =	ssub.s32 @!p0 $0x0, s1;
	[sflag:s0] =	ssyncset.done @!p0 $0x0  }
0x123: {  	[sflag:s0] =	ssyncadd.s32 @!p0 s1  }
0x124: {  	[bflag:$0x3] =	sbarrier.arrive $0xFFFF  }
0x125: {  	_ =	shalt  }

</sc_bundles>
